<compile_context>
chip_gen: v7x
topology: tpu7x:2x2x1
jax: 0.10.2.dev20260603
libtpu: 0.0.44.dev20260713+nightly
codegen_flags: <defaults>
</compile_context>

<pallas_src>
import functools

import jax
import jax.numpy as jnp
from jax import lax
from jax.experimental import pallas as pl
from jax.experimental.pallas import tpu as pltpu
from jax.experimental.pallas import tpu_sc as plsc

N = 320000
B = 1024
D_IN = 128
D_H = 256
D_OUT = 128

NC = 2
NS = 16
NW = NC * NS
SEG_W = B // NW
CHUNK = 192
NBUF = 4
NVEC = D_IN // 16
NSPLIT = 5
BS_ROUNDS = 8


def _segmax_body(feats_hbm, ids_hbm, out_hbm, buf, offv, idxm, valm, accv,
                 sem, sem2):
    wid = lax.axis_index("c") * NS + lax.axis_index("s")
    seg0 = pl.multiple_of(wid * SEG_W, SEG_W)

    lane = lax.iota(jnp.int32, 16)
    q = [seg0 + 16 * k + lane for k in range(3)]
    zero = jnp.zeros((16,), jnp.int32)

    def bs_round(_, carry):
        lo = list(carry[:3])
        hi = list(carry[3:])
        stp = [jnp.maximum(((hi[k] - lo[k] + 2) * 2731) >> 14, 1)
               for k in range(3)]
        for i in range(NSPLIT):
            for k in range(3):
                v = i * 3 + k
                idxc = jnp.minimum(lo[k] + (i + 1) * stp[k], N)
                idxm[pl.ds(16 * v, 16)] = idxc - 1
        probe = pltpu.make_async_copy(
            ids_hbm.at[idxm.at[pl.ds(0, 16 * 3 * NSPLIT)]],
            valm.at[pl.ds(0, 16 * 3 * NSPLIT)], sem2)
        probe.start()
        probe.wait()
        c = [zero for _ in range(3)]
        for i in range(NSPLIT):
            for k in range(3):
                v = i * 3 + k
                val = valm[pl.ds(16 * v, 16)]
                c[k] = c[k] + jnp.where(val < q[k], 1, 0)
        new = []
        for k in range(3):
            new_lo = jnp.minimum(lo[k] + c[k] * stp[k], N)
            hi_cand = jnp.minimum(lo[k] + (c[k] + 1) * stp[k] - 1, hi[k])
            new.append((new_lo, jnp.where(c[k] < NSPLIT, hi_cand, hi[k])))
        return tuple(nl for nl, _ in new) + tuple(nh for _, nh in new)

    carry = lax.fori_loop(
        0, BS_ROUNDS, bs_round,
        (zero, zero, zero) + tuple(jnp.full((16,), N, jnp.int32)
                                   for _ in range(3)))
    pos = carry[:3]
    for k in range(3):
        offv[pl.ds(16 * k, 16)] = pos[k]
    row_lo = pos[0][0]

    base_a = (row_lo // 8) * 8
    base0 = pl.multiple_of(jnp.minimum(base_a, N - CHUNK), 8)
    pltpu.sync_copy(feats_hbm.at[pl.ds(base0, CHUNK)], buf.at[0])
    for b in range(1, NBUF):
        bb = pl.multiple_of(jnp.minimum(base_a + b * CHUNK, N - CHUNK), 8)
        pltpu.make_async_copy(
            feats_hbm.at[pl.ds(bb, CHUNK)], buf.at[b], sem).start()

    neg_inf = jnp.full((16,), -jnp.inf, dtype=jnp.float32)

    def seg_body(j, carry):
        ov = offv[pl.ds(j, 16)]
        seg_lo = ov[0]
        seg_hi = ov[1]

        def row_body(r, rc):
            cur, base_u, acc = rc
            do_swap = r >= base_u + CHUNK

            @pl.when(do_swap)
            def _():
                pltpu.make_async_copy(
                    feats_hbm.at[pl.ds(0, CHUNK)], buf.at[0], sem).wait()
                nb = pl.multiple_of(
                    jnp.minimum(base_u + NBUF * CHUNK, N - CHUNK), 8)
                pltpu.make_async_copy(
                    feats_hbm.at[pl.ds(nb, CHUNK)], buf.at[cur], sem).start()

            base_u = jnp.where(do_swap, base_u + CHUNK, base_u)
            cur = jnp.where(do_swap, (cur + 1) & (NBUF - 1), cur)
            base_c = jnp.minimum(base_u, N - CHUNK)
            p = r - base_c
            acc = tuple(
                jnp.maximum(acc[c], buf[cur, p, pl.ds(16 * c, 16)])
                for c in range(NVEC))
            return cur, base_u, acc

        cur0, base_u0 = carry
        cur0, base_u0, acc = lax.fori_loop(
            seg_lo, seg_hi, row_body, (cur0, base_u0, (neg_inf,) * NVEC))
        for c in range(NVEC):
            accv[j, pl.ds(16 * c, 16)] = acc[c]
        return cur0, base_u0

    lax.fori_loop(0, SEG_W, seg_body, (jnp.int32(0), base_a))
    for b in range(1, NBUF):
        pltpu.make_async_copy(
            feats_hbm.at[pl.ds(0, CHUNK)], buf.at[b], sem).wait()
    pltpu.sync_copy(accv, out_hbm.at[pl.ds(seg0, SEG_W)])


_segmax = functools.partial(
    pl.kernel,
    out_type=jax.ShapeDtypeStruct((B, D_IN), jnp.float32),
    mesh=plsc.VectorSubcoreMesh(core_axis_name="c", subcore_axis_name="s"),
    scratch_types=[
        pltpu.VMEM((NBUF, CHUNK, D_IN), jnp.float32),
        pltpu.VMEM((48,), jnp.int32),
        pltpu.VMEM((16 * 3 * NSPLIT,), jnp.int32),
        pltpu.VMEM((16 * 3 * NSPLIT,), jnp.int32),
        pltpu.VMEM((SEG_W, D_IN), jnp.float32),
        pltpu.SemaphoreType.DMA,
        pltpu.SemaphoreType.DMA,
    ],
)(_segmax_body)


def _fc_body(p_ref, w1_ref, b1_ref, w2_ref, b2_ref, o_ref):
    h = jnp.dot(p_ref[...], w1_ref[...],
                preferred_element_type=jnp.float32) + b1_ref[...]
    o_ref[...] = jnp.dot(h, w2_ref[...],
                         preferred_element_type=jnp.float32) + b2_ref[...]


def _fc(pooled, W1, b1, W2, b2):
    return pl.pallas_call(
        _fc_body,
        out_shape=jax.ShapeDtypeStruct((B, D_OUT), jnp.float32),
    )(pooled, W1, b1.reshape(1, D_H), W2, b2.reshape(1, D_OUT))


def kernel(feats, segment_ids, W1, b1, W2, b2):
    ids = segment_ids.astype(jnp.int32)
    pooled = _segmax(feats, ids)
    emb = _fc(pooled, W1, b1, W2, b2)
    return (emb, emb)

# --- scband reference (transcript-rebuilt; emitter-appended) ---
"""Pipeline reference for scband-fc-45354854645899 (READ-ONLY COPY).

The authoritative reference and input builder live on the scoring server;
editing this copy changes nothing except your own understanding.
"""

import jax, jax.numpy as jnp
import numpy as np

N = 320000
B = 1024
D_IN = 128
D_H = 256
D_OUT = 128


def setup_inputs(seed: int = 0) -> dict:
    key = jax.random.key(seed)
    k1, k2, k3, k4, k5, k6 = jax.random.split(key, 6)
    feats = jax.random.normal(k1, (N, D_IN), dtype=jnp.float32)
    segment_ids = jnp.sort(jax.random.randint(k2, (N,), 0, B, dtype=jnp.int64))
    s1 = 1.0 / np.sqrt(D_IN)
    s2 = 1.0 / np.sqrt(D_H)
    W1 = jax.random.uniform(k3, (D_IN, D_H), minval=-s1, maxval=s1, dtype=jnp.float32)
    b1 = jax.random.uniform(k4, (D_H,), minval=-s1, maxval=s1, dtype=jnp.float32)
    W2 = jax.random.uniform(k5, (D_H, D_OUT), minval=-s2, maxval=s2, dtype=jnp.float32)
    b2 = jax.random.uniform(k6, (D_OUT,), minval=-s2, maxval=s2, dtype=jnp.float32)
    return {"feats": feats, "segment_ids": segment_ids, "W1": W1, "b1": b1, "W2": W2, "b2": b2}


def reference(feats, segment_ids, W1, b1, W2, b2):
    # _max_pool: per-batch (segment) max over point features, equivalent to the
    # python loop `feats[coords[:,0]==i].max(0)[0]` stacked over i.
    pooled = jax.ops.segment_max(feats, segment_ids, num_segments=B)
    # fc1: Sequential of plain Linear layers (no activations in the original).
    h = pooled @ W1 + b1
    emb = h @ W2 + b2
    return (emb, emb)

if __name__ == "__main__":
    import jax
    _d = setup_inputs()
    print(jax.jit(kernel)(*tuple(_d.values())))

</pallas_src>

<mosaic_0001>
#map = affine_map<(d0, d1) -> (0, 0)>
#map1 = affine_map<(d0, d1) -> (0)>
module attributes {stable_mosaic.version = 14 : i64} {
  func.func @_segmax_body(%arg0: i32, %arg1: i32, %arg2: memref<320000x128xf32, #tpu.memory_space<hbm>>, %arg3: memref<320000xi32, #tpu.memory_space<hbm>>, %arg4: memref<1024x128xf32, #tpu.memory_space<hbm>>, %arg5: memref<4x192x128xf32, #tpu.memory_space<vmem>>, %arg6: memref<48xi32, #tpu.memory_space<vmem>>, %arg7: memref<240xi32, #tpu.memory_space<vmem>>, %arg8: memref<240xi32, #tpu.memory_space<vmem>>, %arg9: memref<32x128xf32, #tpu.memory_space<vmem>>, %arg10: memref<!tpu.dma_semaphore, #tpu.memory_space<semaphore_mem>>, %arg11: memref<!tpu.dma_semaphore, #tpu.memory_space<semaphore_mem>>) attributes {dimension_semantics = [#tpu.dimension_semantics<core_parallel>, #tpu.dimension_semantics<subcore_parallel>], iteration_bounds = array<i64: 2, 16>, scalar_prefetch = 0 : i64, scratch_operands = 7 : i64, tpu.core_type = #tpu.core_type<sc_vector_subcore>, window_params = [{transform_indices = #map}, {transform_indices = #map1}, {transform_indices = #map}]} {
    %mul3A = arith.constant 16 : i32
    %mul3A_0 = arith.muli %arg0, %mul3A : i32
    %add3A = arith.addi %mul3A_0, %arg1 : i32
    %mul3A_1 = arith.constant 32 : i32
    %mul3A_2 = arith.muli %add3A, %mul3A_1 : i32
    %multiple_of3A = tpu.assume_multiple %mul3A_2, 32 : i32
    %iota3A = tpu.iota {dimensions = array<i32: 0>} : vector<16xi32>
    %add3A_3 = arith.constant 0 : i32
    %add3A_4 = arith.addi %multiple_of3A, %add3A_3 : i32
    %add3A_5 = vector.broadcast %add3A_4 : i32 to vector<16xi32>
    %add3A_6 = arith.addi %add3A_5, %iota3A : vector<16xi32>
    %add3A_7 = arith.constant 16 : i32
    %add3A_8 = arith.addi %multiple_of3A, %add3A_7 : i32
    %add3A_9 = vector.broadcast %add3A_8 : i32 to vector<16xi32>
    %add3A_10 = arith.addi %add3A_9, %iota3A : vector<16xi32>
    %add3A_11 = arith.constant 32 : i32
    %add3A_12 = arith.addi %multiple_of3A, %add3A_11 : i32
    %add3A_13 = vector.broadcast %add3A_12 : i32 to vector<16xi32>
    %add3A_14 = arith.addi %add3A_13, %iota3A : vector<16xi32>
    %broadcast_in_dim3A = arith.constant 0 : i32
    %broadcast_in_dim3A_15 = vector.broadcast %broadcast_in_dim3A : i32 to vector<16xi32>
    %broadcast_in_dim3A_16 = arith.constant 320000 : i32
    %broadcast_in_dim3A_17 = vector.broadcast %broadcast_in_dim3A_16 : i32 to vector<16xi32>
    %broadcast_in_dim3A_18 = arith.constant 320000 : i32
    %broadcast_in_dim3A_19 = vector.broadcast %broadcast_in_dim3A_18 : i32 to vector<16xi32>
    %broadcast_in_dim3A_20 = arith.constant 320000 : i32
    %broadcast_in_dim3A_21 = vector.broadcast %broadcast_in_dim3A_20 : i32 to vector<16xi32>
    %scan3A = arith.constant 0 : i32
    %scan3A_22 = arith.constant 8 : i32
    %scan3A_23 = arith.addi %scan3A, %scan3A_22 : i32
    %scan3A_24 = arith.constant 1 : i32
    %scan3A_25:6 = scf.for %scan3A_164 = %scan3A to %scan3A_23 step %scan3A_24 iter_args(%scan3A_165 = %broadcast_in_dim3A_15, %scan3A_166 = %broadcast_in_dim3A_15, %scan3A_167 = %broadcast_in_dim3A_15, %scan3A_168 = %broadcast_in_dim3A_17, %scan3A_169 = %broadcast_in_dim3A_19, %scan3A_170 = %broadcast_in_dim3A_21) -> (vector<16xi32>, vector<16xi32>, vector<16xi32>, vector<16xi32>, vector<16xi32>, vector<16xi32>)  : i32 {
      %sub3A_171 = arith.subi %scan3A_168, %scan3A_165 : vector<16xi32>
      %add3A_172 = arith.constant 2 : i32
      %add3A_173 = vector.broadcast %add3A_172 : i32 to vector<16xi32>
      %add3A_174 = arith.addi %sub3A_171, %add3A_173 : vector<16xi32>
      %mul3A_175 = arith.constant 2731 : i32
      %mul3A_176 = vector.broadcast %mul3A_175 : i32 to vector<16xi32>
      %mul3A_177 = arith.muli %add3A_174, %mul3A_176 : vector<16xi32>
      %shift_right_arithmetic3A = arith.constant 14 : i32
      %shift_right_arithmetic3A_178 = vector.broadcast %shift_right_arithmetic3A : i32 to vector<16xi32>
      %shift_right_arithmetic3A_179 = arith.shrsi %mul3A_177, %shift_right_arithmetic3A_178 : vector<16xi32>
      %max3A = arith.constant 1 : i32
      %max3A_180 = vector.broadcast %max3A : i32 to vector<16xi32>
      %max3A_181 = arith.maxsi %shift_right_arithmetic3A_179, %max3A_180 : vector<16xi32>
      %sub3A_182 = arith.subi %scan3A_169, %scan3A_166 : vector<16xi32>
      %add3A_183 = arith.constant 2 : i32
      %add3A_184 = vector.broadcast %add3A_183 : i32 to vector<16xi32>
      %add3A_185 = arith.addi %sub3A_182, %add3A_184 : vector<16xi32>
      %mul3A_186 = arith.constant 2731 : i32
      %mul3A_187 = vector.broadcast %mul3A_186 : i32 to vector<16xi32>
      %mul3A_188 = arith.muli %add3A_185, %mul3A_187 : vector<16xi32>
      %shift_right_arithmetic3A_189 = arith.constant 14 : i32
      %shift_right_arithmetic3A_190 = vector.broadcast %shift_right_arithmetic3A_189 : i32 to vector<16xi32>
      %shift_right_arithmetic3A_191 = arith.shrsi %mul3A_188, %shift_right_arithmetic3A_190 : vector<16xi32>
      %max3A_192 = arith.constant 1 : i32
      %max3A_193 = vector.broadcast %max3A_192 : i32 to vector<16xi32>
      %max3A_194 = arith.maxsi %shift_right_arithmetic3A_191, %max3A_193 : vector<16xi32>
      %sub3A_195 = arith.subi %scan3A_170, %scan3A_167 : vector<16xi32>
      %add3A_196 = arith.constant 2 : i32
      %add3A_197 = vector.broadcast %add3A_196 : i32 to vector<16xi32>
      %add3A_198 = arith.addi %sub3A_195, %add3A_197 : vector<16xi32>
      %mul3A_199 = arith.constant 2731 : i32
      %mul3A_200 = vector.broadcast %mul3A_199 : i32 to vector<16xi32>
      %mul3A_201 = arith.muli %add3A_198, %mul3A_200 : vector<16xi32>
      %shift_right_arithmetic3A_202 = arith.constant 14 : i32
      %shift_right_arithmetic3A_203 = vector.broadcast %shift_right_arithmetic3A_202 : i32 to vector<16xi32>
      %shift_right_arithmetic3A_204 = arith.shrsi %mul3A_201, %shift_right_arithmetic3A_203 : vector<16xi32>
      %max3A_205 = arith.constant 1 : i32
      %max3A_206 = vector.broadcast %max3A_205 : i32 to vector<16xi32>
      %max3A_207 = arith.maxsi %shift_right_arithmetic3A_204, %max3A_206 : vector<16xi32>
      %mul3A_208 = arith.constant 1 : i32
      %mul3A_209 = vector.broadcast %mul3A_208 : i32 to vector<16xi32>
      %mul3A_210 = arith.muli %mul3A_209, %max3A_181 : vector<16xi32>
      %add3A_211 = arith.addi %scan3A_165, %mul3A_210 : vector<16xi32>
      %min3A_212 = arith.constant 320000 : i32
      %min3A_213 = vector.broadcast %min3A_212 : i32 to vector<16xi32>
      %min3A_214 = arith.minsi %add3A_211, %min3A_213 : vector<16xi32>
      %sub3A_215 = arith.constant 1 : i32
      %sub3A_216 = vector.broadcast %sub3A_215 : i32 to vector<16xi32>
      %sub3A_217 = arith.subi %min3A_214, %sub3A_216 : vector<16xi32>
      %swap3A_218 = arith.constant 0 : index
      %swap3A_219 = tpu.vector_load %arg7[%swap3A_218] {strides = array<i32>} : memref<240xi32, #tpu.memory_space<vmem>>, vector<16xi32>,
      %swap3A_220 = vector.shape_cast %swap3A_219 : vector<16xi32> to vector<16xi32>
      %swap3A_221 = vector.shape_cast %sub3A_217 : vector<16xi32> to vector<16xi32>
      tpu.vector_store %arg7[%swap3A_218], %swap3A_221 {strides = array<i32>} : memref<240xi32, #tpu.memory_space<vmem>>, vector<16xi32>,
      %mul3A_222 = arith.constant 1 : i32
      %mul3A_223 = vector.broadcast %mul3A_222 : i32 to vector<16xi32>
      %mul3A_224 = arith.muli %mul3A_223, %max3A_194 : vector<16xi32>
      %add3A_225 = arith.addi %scan3A_166, %mul3A_224 : vector<16xi32>
      %min3A_226 = arith.constant 320000 : i32
      %min3A_227 = vector.broadcast %min3A_226 : i32 to vector<16xi32>
      %min3A_228 = arith.minsi %add3A_225, %min3A_227 : vector<16xi32>
      %sub3A_229 = arith.constant 1 : i32
      %sub3A_230 = vector.broadcast %sub3A_229 : i32 to vector<16xi32>
      %sub3A_231 = arith.subi %min3A_228, %sub3A_230 : vector<16xi32>
      %swap3A_232 = arith.constant 16 : index
      %swap3A_233 = tpu.vector_load %arg7[%swap3A_232] {strides = array<i32>} : memref<240xi32, #tpu.memory_space<vmem>>, vector<16xi32>,
      %swap3A_234 = vector.shape_cast %swap3A_233 : vector<16xi32> to vector<16xi32>
      %swap3A_235 = vector.shape_cast %sub3A_231 : vector<16xi32> to vector<16xi32>
      tpu.vector_store %arg7[%swap3A_232], %swap3A_235 {strides = array<i32>} : memref<240xi32, #tpu.memory_space<vmem>>, vector<16xi32>,
      %mul3A_236 = arith.constant 1 : i32
      %mul3A_237 = vector.broadcast %mul3A_236 : i32 to vector<16xi32>
      %mul3A_238 = arith.muli %mul3A_237, %max3A_207 : vector<16xi32>
      %add3A_239 = arith.addi %scan3A_167, %mul3A_238 : vector<16xi32>
      %min3A_240 = arith.constant 320000 : i32
      %min3A_241 = vector.broadcast %min3A_240 : i32 to vector<16xi32>
      %min3A_242 = arith.minsi %add3A_239, %min3A_241 : vector<16xi32>
      %sub3A_243 = arith.constant 1 : i32
      %sub3A_244 = vector.broadcast %sub3A_243 : i32 to vector<16xi32>
      %sub3A_245 = arith.subi %min3A_242, %sub3A_244 : vector<16xi32>
      %swap3A_246 = arith.constant 32 : index
      %swap3A_247 = tpu.vector_load %arg7[%swap3A_246] {strides = array<i32>} : memref<240xi32, #tpu.memory_space<vmem>>, vector<16xi32>,
      %swap3A_248 = vector.shape_cast %swap3A_247 : vector<16xi32> to vector<16xi32>
      %swap3A_249 = vector.shape_cast %sub3A_245 : vector<16xi32> to vector<16xi32>
      tpu.vector_store %arg7[%swap3A_246], %swap3A_249 {strides = array<i32>} : memref<240xi32, #tpu.memory_space<vmem>>, vector<16xi32>,
      %mul3A_250 = arith.constant 2 : i32
      %mul3A_251 = vector.broadcast %mul3A_250 : i32 to vector<16xi32>
      %mul3A_252 = arith.muli %mul3A_251, %max3A_181 : vector<16xi32>
      %add3A_253 = arith.addi %scan3A_165, %mul3A_252 : vector<16xi32>
      %min3A_254 = arith.constant 320000 : i32
      %min3A_255 = vector.broadcast %min3A_254 : i32 to vector<16xi32>
      %min3A_256 = arith.minsi %add3A_253, %min3A_255 : vector<16xi32>
      %sub3A_257 = arith.constant 1 : i32
      %sub3A_258 = vector.broadcast %sub3A_257 : i32 to vector<16xi32>
      %sub3A_259 = arith.subi %min3A_256, %sub3A_258 : vector<16xi32>
      %swap3A_260 = arith.constant 48 : index
      %swap3A_261 = tpu.vector_load %arg7[%swap3A_260] {strides = array<i32>} : memref<240xi32, #tpu.memory_space<vmem>>, vector<16xi32>,
      %swap3A_262 = vector.shape_cast %swap3A_261 : vector<16xi32> to vector<16xi32>
      %swap3A_263 = vector.shape_cast %sub3A_259 : vector<16xi32> to vector<16xi32>
      tpu.vector_store %arg7[%swap3A_260], %swap3A_263 {strides = array<i32>} : memref<240xi32, #tpu.memory_space<vmem>>, vector<16xi32>,
      %mul3A_264 = arith.constant 2 : i32
      %mul3A_265 = vector.broadcast %mul3A_264 : i32 to vector<16xi32>
      %mul3A_266 = arith.muli %mul3A_265, %max3A_194 : vector<16xi32>
      %add3A_267 = arith.addi %scan3A_166, %mul3A_266 : vector<16xi32>
      %min3A_268 = arith.constant 320000 : i32
      %min3A_269 = vector.broadcast %min3A_268 : i32 to vector<16xi32>
      %min3A_270 = arith.minsi %add3A_267, %min3A_269 : vector<16xi32>
      %sub3A_271 = arith.constant 1 : i32
      %sub3A_272 = vector.broadcast %sub3A_271 : i32 to vector<16xi32>
      %sub3A_273 = arith.subi %min3A_270, %sub3A_272 : vector<16xi32>
      %swap3A_274 = arith.constant 64 : index
      %swap3A_275 = tpu.vector_load %arg7[%swap3A_274] {strides = array<i32>} : memref<240xi32, #tpu.memory_space<vmem>>, vector<16xi32>,
      %swap3A_276 = vector.shape_cast %swap3A_275 : vector<16xi32> to vector<16xi32>
      %swap3A_277 = vector.shape_cast %sub3A_273 : vector<16xi32> to vector<16xi32>
      tpu.vector_store %arg7[%swap3A_274], %swap3A_277 {strides = array<i32>} : memref<240xi32, #tpu.memory_space<vmem>>, vector<16xi32>,
      %mul3A_278 = arith.constant 2 : i32
      %mul3A_279 = vector.broadcast %mul3A_278 : i32 to vector<16xi32>
      %mul3A_280 = arith.muli %mul3A_279, %max3A_207 : vector<16xi32>
      %add3A_281 = arith.addi %scan3A_167, %mul3A_280 : vector<16xi32>
      %min3A_282 = arith.constant 320000 : i32
      %min3A_283 = vector.broadcast %min3A_282 : i32 to vector<16xi32>
      %min3A_284 = arith.minsi %add3A_281, %min3A_283 : vector<16xi32>
      %sub3A_285 = arith.constant 1 : i32
      %sub3A_286 = vector.broadcast %sub3A_285 : i32 to vector<16xi32>
      %sub3A_287 = arith.subi %min3A_284, %sub3A_286 : vector<16xi32>
      %swap3A_288 = arith.constant 80 : index
      %swap3A_289 = tpu.vector_load %arg7[%swap3A_288] {strides = array<i32>} : memref<240xi32, #tpu.memory_space<vmem>>, vector<16xi32>,
      %swap3A_290 = vector.shape_cast %swap3A_289 : vector<16xi32> to vector<16xi32>
      %swap3A_291 = vector.shape_cast %sub3A_287 : vector<16xi32> to vector<16xi32>
      tpu.vector_store %arg7[%swap3A_288], %swap3A_291 {strides = array<i32>} : memref<240xi32, #tpu.memory_space<vmem>>, vector<16xi32>,
      %mul3A_292 = arith.constant 3 : i32
      %mul3A_293 = vector.broadcast %mul3A_292 : i32 to vector<16xi32>
      %mul3A_294 = arith.muli %mul3A_293, %max3A_181 : vector<16xi32>
      %add3A_295 = arith.addi %scan3A_165, %mul3A_294 : vector<16xi32>
      %min3A_296 = arith.constant 320000 : i32
      %min3A_297 = vector.broadcast %min3A_296 : i32 to vector<16xi32>
      %min3A_298 = arith.minsi %add3A_295, %min3A_297 : vector<16xi32>
      %sub3A_299 = arith.constant 1 : i32
      %sub3A_300 = vector.broadcast %sub3A_299 : i32 to vector<16xi32>
      %sub3A_301 = arith.subi %min3A_298, %sub3A_300 : vector<16xi32>
      %swap3A_302 = arith.constant 96 : index
      %swap3A_303 = tpu.vector_load %arg7[%swap3A_302] {strides = array<i32>} : memref<240xi32, #tpu.memory_space<vmem>>, vector<16xi32>,
      %swap3A_304 = vector.shape_cast %swap3A_303 : vector<16xi32> to vector<16xi32>
      %swap3A_305 = vector.shape_cast %sub3A_301 : vector<16xi32> to vector<16xi32>
      tpu.vector_store %arg7[%swap3A_302], %swap3A_305 {strides = array<i32>} : memref<240xi32, #tpu.memory_space<vmem>>, vector<16xi32>,
      %mul3A_306 = arith.constant 3 : i32
      %mul3A_307 = vector.broadcast %mul3A_306 : i32 to vector<16xi32>
      %mul3A_308 = arith.muli %mul3A_307, %max3A_194 : vector<16xi32>
      %add3A_309 = arith.addi %scan3A_166, %mul3A_308 : vector<16xi32>
      %min3A_310 = arith.constant 320000 : i32
      %min3A_311 = vector.broadcast %min3A_310 : i32 to vector<16xi32>
      %min3A_312 = arith.minsi %add3A_309, %min3A_311 : vector<16xi32>
      %sub3A_313 = arith.constant 1 : i32
      %sub3A_314 = vector.broadcast %sub3A_313 : i32 to vector<16xi32>
      %sub3A_315 = arith.subi %min3A_312, %sub3A_314 : vector<16xi32>
      %swap3A_316 = arith.constant 112 : index
      %swap3A_317 = tpu.vector_load %arg7[%swap3A_316] {strides = array<i32>} : memref<240xi32, #tpu.memory_space<vmem>>, vector<16xi32>,
      %swap3A_318 = vector.shape_cast %swap3A_317 : vector<16xi32> to vector<16xi32>
      %swap3A_319 = vector.shape_cast %sub3A_315 : vector<16xi32> to vector<16xi32>
      tpu.vector_store %arg7[%swap3A_316], %swap3A_319 {strides = array<i32>} : memref<240xi32, #tpu.memory_space<vmem>>, vector<16xi32>,
      %mul3A_320 = arith.constant 3 : i32
      %mul3A_321 = vector.broadcast %mul3A_320 : i32 to vector<16xi32>
      %mul3A_322 = arith.muli %mul3A_321, %max3A_207 : vector<16xi32>
      %add3A_323 = arith.addi %scan3A_167, %mul3A_322 : vector<16xi32>
      %min3A_324 = arith.constant 320000 : i32
      %min3A_325 = vector.broadcast %min3A_324 : i32 to vector<16xi32>
      %min3A_326 = arith.minsi %add3A_323, %min3A_325 : vector<16xi32>
      %sub3A_327 = arith.constant 1 : i32
      %sub3A_328 = vector.broadcast %sub3A_327 : i32 to vector<16xi32>
      %sub3A_329 = arith.subi %min3A_326, %sub3A_328 : vector<16xi32>
      %swap3A_330 = arith.constant 128 : index
      %swap3A_331 = tpu.vector_load %arg7[%swap3A_330] {strides = array<i32>} : memref<240xi32, #tpu.memory_space<vmem>>, vector<16xi32>,
      %swap3A_332 = vector.shape_cast %swap3A_331 : vector<16xi32> to vector<16xi32>
      %swap3A_333 = vector.shape_cast %sub3A_329 : vector<16xi32> to vector<16xi32>
      tpu.vector_store %arg7[%swap3A_330], %swap3A_333 {strides = array<i32>} : memref<240xi32, #tpu.memory_space<vmem>>, vector<16xi32>,
      %mul3A_334 = arith.constant 4 : i32
      %mul3A_335 = vector.broadcast %mul3A_334 : i32 to vector<16xi32>
      %mul3A_336 = arith.muli %mul3A_335, %max3A_181 : vector<16xi32>
      %add3A_337 = arith.addi %scan3A_165, %mul3A_336 : vector<16xi32>
      %min3A_338 = arith.constant 320000 : i32
      %min3A_339 = vector.broadcast %min3A_338 : i32 to vector<16xi32>
      %min3A_340 = arith.minsi %add3A_337, %min3A_339 : vector<16xi32>
      %sub3A_341 = arith.constant 1 : i32
      %sub3A_342 = vector.broadcast %sub3A_341 : i32 to vector<16xi32>
      %sub3A_343 = arith.subi %min3A_340, %sub3A_342 : vector<16xi32>
      %swap3A_344 = arith.constant 144 : index
      %swap3A_345 = tpu.vector_load %arg7[%swap3A_344] {strides = array<i32>} : memref<240xi32, #tpu.memory_space<vmem>>, vector<16xi32>,
      %swap3A_346 = vector.shape_cast %swap3A_345 : vector<16xi32> to vector<16xi32>
      %swap3A_347 = vector.shape_cast %sub3A_343 : vector<16xi32> to vector<16xi32>
      tpu.vector_store %arg7[%swap3A_344], %swap3A_347 {strides = array<i32>} : memref<240xi32, #tpu.memory_space<vmem>>, vector<16xi32>,
      %mul3A_348 = arith.constant 4 : i32
      %mul3A_349 = vector.broadcast %mul3A_348 : i32 to vector<16xi32>
      %mul3A_350 = arith.muli %mul3A_349, %max3A_194 : vector<16xi32>
      %add3A_351 = arith.addi %scan3A_166, %mul3A_350 : vector<16xi32>
      %min3A_352 = arith.constant 320000 : i32
      %min3A_353 = vector.broadcast %min3A_352 : i32 to vector<16xi32>
      %min3A_354 = arith.minsi %add3A_351, %min3A_353 : vector<16xi32>
      %sub3A_355 = arith.constant 1 : i32
      %sub3A_356 = vector.broadcast %sub3A_355 : i32 to vector<16xi32>
      %sub3A_357 = arith.subi %min3A_354, %sub3A_356 : vector<16xi32>
      %swap3A_358 = arith.constant 160 : index
      %swap3A_359 = tpu.vector_load %arg7[%swap3A_358] {strides = array<i32>} : memref<240xi32, #tpu.memory_space<vmem>>, vector<16xi32>,
      %swap3A_360 = vector.shape_cast %swap3A_359 : vector<16xi32> to vector<16xi32>
      %swap3A_361 = vector.shape_cast %sub3A_357 : vector<16xi32> to vector<16xi32>
      tpu.vector_store %arg7[%swap3A_358], %swap3A_361 {strides = array<i32>} : memref<240xi32, #tpu.memory_space<vmem>>, vector<16xi32>,
      %mul3A_362 = arith.constant 4 : i32
      %mul3A_363 = vector.broadcast %mul3A_362 : i32 to vector<16xi32>
      %mul3A_364 = arith.muli %mul3A_363, %max3A_207 : vector<16xi32>
      %add3A_365 = arith.addi %scan3A_167, %mul3A_364 : vector<16xi32>
      %min3A_366 = arith.constant 320000 : i32
      %min3A_367 = vector.broadcast %min3A_366 : i32 to vector<16xi32>
      %min3A_368 = arith.minsi %add3A_365, %min3A_367 : vector<16xi32>
      %sub3A_369 = arith.constant 1 : i32
      %sub3A_370 = vector.broadcast %sub3A_369 : i32 to vector<16xi32>
      %sub3A_371 = arith.subi %min3A_368, %sub3A_370 : vector<16xi32>
      %swap3A_372 = arith.constant 176 : index
      %swap3A_373 = tpu.vector_load %arg7[%swap3A_372] {strides = array<i32>} : memref<240xi32, #tpu.memory_space<vmem>>, vector<16xi32>,
      %swap3A_374 = vector.shape_cast %swap3A_373 : vector<16xi32> to vector<16xi32>
      %swap3A_375 = vector.shape_cast %sub3A_371 : vector<16xi32> to vector<16xi32>
      tpu.vector_store %arg7[%swap3A_372], %swap3A_375 {strides = array<i32>} : memref<240xi32, #tpu.memory_space<vmem>>, vector<16xi32>,
      %mul3A_376 = arith.constant 5 : i32
      %mul3A_377 = vector.broadcast %mul3A_376 : i32 to vector<16xi32>
      %mul3A_378 = arith.muli %mul3A_377, %max3A_181 : vector<16xi32>
      %add3A_379 = arith.addi %scan3A_165, %mul3A_378 : vector<16xi32>
      %min3A_380 = arith.constant 320000 : i32
      %min3A_381 = vector.broadcast %min3A_380 : i32 to vector<16xi32>
      %min3A_382 = arith.minsi %add3A_379, %min3A_381 : vector<16xi32>
      %sub3A_383 = arith.constant 1 : i32
      %sub3A_384 = vector.broadcast %sub3A_383 : i32 to vector<16xi32>
      %sub3A_385 = arith.subi %min3A_382, %sub3A_384 : vector<16xi32>
      %swap3A_386 = arith.constant 192 : index
      %swap3A_387 = tpu.vector_load %arg7[%swap3A_386] {strides = array<i32>} : memref<240xi32, #tpu.memory_space<vmem>>, vector<16xi32>,
      %swap3A_388 = vector.shape_cast %swap3A_387 : vector<16xi32> to vector<16xi32>
      %swap3A_389 = vector.shape_cast %sub3A_385 : vector<16xi32> to vector<16xi32>
      tpu.vector_store %arg7[%swap3A_386], %swap3A_389 {strides = array<i32>} : memref<240xi32, #tpu.memory_space<vmem>>, vector<16xi32>,
      %mul3A_390 = arith.constant 5 : i32
      %mul3A_391 = vector.broadcast %mul3A_390 : i32 to vector<16xi32>
      %mul3A_392 = arith.muli %mul3A_391, %max3A_194 : vector<16xi32>
      %add3A_393 = arith.addi %scan3A_166, %mul3A_392 : vector<16xi32>
      %min3A_394 = arith.constant 320000 : i32
      %min3A_395 = vector.broadcast %min3A_394 : i32 to vector<16xi32>
      %min3A_396 = arith.minsi %add3A_393, %min3A_395 : vector<16xi32>
      %sub3A_397 = arith.constant 1 : i32
      %sub3A_398 = vector.broadcast %sub3A_397 : i32 to vector<16xi32>
      %sub3A_399 = arith.subi %min3A_396, %sub3A_398 : vector<16xi32>
      %swap3A_400 = arith.constant 208 : index
      %swap3A_401 = tpu.vector_load %arg7[%swap3A_400] {strides = array<i32>} : memref<240xi32, #tpu.memory_space<vmem>>, vector<16xi32>,
      %swap3A_402 = vector.shape_cast %swap3A_401 : vector<16xi32> to vector<16xi32>
      %swap3A_403 = vector.shape_cast %sub3A_399 : vector<16xi32> to vector<16xi32>
      tpu.vector_store %arg7[%swap3A_400], %swap3A_403 {strides = array<i32>} : memref<240xi32, #tpu.memory_space<vmem>>, vector<16xi32>,
      %mul3A_404 = arith.constant 5 : i32
      %mul3A_405 = vector.broadcast %mul3A_404 : i32 to vector<16xi32>
      %mul3A_406 = arith.muli %mul3A_405, %max3A_207 : vector<16xi32>
      %add3A_407 = arith.addi %scan3A_167, %mul3A_406 : vector<16xi32>
      %min3A_408 = arith.constant 320000 : i32
      %min3A_409 = vector.broadcast %min3A_408 : i32 to vector<16xi32>
      %min3A_410 = arith.minsi %add3A_407, %min3A_409 : vector<16xi32>
      %sub3A_411 = arith.constant 1 : i32
      %sub3A_412 = vector.broadcast %sub3A_411 : i32 to vector<16xi32>
      %sub3A_413 = arith.subi %min3A_410, %sub3A_412 : vector<16xi32>
      %swap3A_414 = arith.constant 224 : index
      %swap3A_415 = tpu.vector_load %arg7[%swap3A_414] {strides = array<i32>} : memref<240xi32, #tpu.memory_space<vmem>>, vector<16xi32>,
      %swap3A_416 = vector.shape_cast %swap3A_415 : vector<16xi32> to vector<16xi32>
      %swap3A_417 = vector.shape_cast %sub3A_413 : vector<16xi32> to vector<16xi32>
      tpu.vector_store %arg7[%swap3A_414], %swap3A_417 {strides = array<i32>} : memref<240xi32, #tpu.memory_space<vmem>>, vector<16xi32>,
      %dma_start3A_418 = arith.constant 0 : i32
      %dma_start3A_419 = tpu.memref_slice %arg8[%dma_start3A_418] : memref<240xi32, #tpu.memory_space<vmem>> -> memref<240xi32, #tpu.memory_space<vmem>>
      %dma_start3A_420 = arith.constant 0 : i32
      %dma_start3A_421 = tpu.memref_slice %arg7[%dma_start3A_420] : memref<240xi32, #tpu.memory_space<vmem>> -> memref<240xi32, #tpu.memory_space<vmem>>
      %dma_start3A_422 = arith.constant 0 : i32
      %dma_start3A_423 = tpu.memref_slice %arg3[%dma_start3A_422] : memref<320000xi32, #tpu.memory_space<hbm>> -> memref<320000xi32, #tpu.memory_space<hbm>>
      tpu.enqueue_indirect_dma source(%dma_start3A_423 : memref<320000xi32, #tpu.memory_space<hbm>>) target(%dma_start3A_419 : memref<240xi32, #tpu.memory_space<vmem>>) offsets(%dma_start3A_421 : memref<240xi32, #tpu.memory_space<vmem>>) semaphore(%arg11 : memref<!tpu.dma_semaphore, #tpu.memory_space<semaphore_mem>>)
      %dma_wait3A_424 = arith.constant 0 : i32
      %dma_wait3A_425 = tpu.memref_slice %arg8[%dma_wait3A_424] : memref<240xi32, #tpu.memory_space<vmem>> -> memref<240xi32, #tpu.memory_space<vmem>>
      %dma_wait3A_426 = arith.constant 0 : i32
      %dma_wait3A_427 = tpu.memref_slice %arg7[%dma_wait3A_426] : memref<240xi32, #tpu.memory_space<vmem>> -> memref<240xi32, #tpu.memory_space<vmem>>
      %dma_wait3A_428 = arith.constant 0 : i32
      %dma_wait3A_429 = tpu.memref_slice %arg3[%dma_wait3A_428] : memref<320000xi32, #tpu.memory_space<hbm>> -> memref<320000xi32, #tpu.memory_space<hbm>>
      tpu.wait_indirect_dma semaphore(%arg11 : memref<!tpu.dma_semaphore, #tpu.memory_space<semaphore_mem>>) src(%dma_wait3A_429 : memref<320000xi32, #tpu.memory_space<hbm>>) dst(%dma_wait3A_425 : memref<240xi32, #tpu.memory_space<vmem>>)
      %get3A = arith.constant 0 : index
      %get3A_430 = tpu.vector_load %arg8[%get3A] {strides = array<i32>} : memref<240xi32, #tpu.memory_space<vmem>>, vector<16xi32>,
      %get3A_431 = vector.shape_cast %get3A_430 : vector<16xi32> to vector<16xi32>
      %lt3A = arith.cmpi slt, %get3A_431, %add3A_6 : vector<16xi32>
      %jit3A_432 = arith.constant 1 : i32
      %jit3A_433 = arith.constant 0 : i32
      %broadcast_in_dim3A_434 = vector.broadcast %jit3A_432 : i32 to vector<16xi32>
      %broadcast_in_dim3A_435 = vector.broadcast %jit3A_433 : i32 to vector<16xi32>
      %select_n3A_436 = arith.select %lt3A, %broadcast_in_dim3A_434, %broadcast_in_dim3A_435 : vector<16xi1>, vector<16xi32>
      %add3A_437 = arith.addi %broadcast_in_dim3A_15, %select_n3A_436 : vector<16xi32>
      %get3A_438 = arith.constant 16 : index
      %get3A_439 = tpu.vector_load %arg8[%get3A_438] {strides = array<i32>} : memref<240xi32, #tpu.memory_space<vmem>>, vector<16xi32>,
      %get3A_440 = vector.shape_cast %get3A_439 : vector<16xi32> to vector<16xi32>
      %lt3A_441 = arith.cmpi slt, %get3A_440, %add3A_10 : vector<16xi32>
      %jit3A_442 = arith.constant 1 : i32
      %jit3A_443 = arith.constant 0 : i32
      %broadcast_in_dim3A_444 = vector.broadcast %jit3A_442 : i32 to vector<16xi32>
      %broadcast_in_dim3A_445 = vector.broadcast %jit3A_443 : i32 to vector<16xi32>
      %select_n3A_446 = arith.select %lt3A_441, %broadcast_in_dim3A_444, %broadcast_in_dim3A_445 : vector<16xi1>, vector<16xi32>
      %add3A_447 = arith.addi %broadcast_in_dim3A_15, %select_n3A_446 : vector<16xi32>
      %get3A_448 = arith.constant 32 : index
      %get3A_449 = tpu.vector_load %arg8[%get3A_448] {strides = array<i32>} : memref<240xi32, #tpu.memory_space<vmem>>, vector<16xi32>,
      %get3A_450 = vector.shape_cast %get3A_449 : vector<16xi32> to vector<16xi32>
      %lt3A_451 = arith.cmpi slt, %get3A_450, %add3A_14 : vector<16xi32>
      %jit3A_452 = arith.constant 1 : i32
      %jit3A_453 = arith.constant 0 : i32
      %broadcast_in_dim3A_454 = vector.broadcast %jit3A_452 : i32 to vector<16xi32>
      %broadcast_in_dim3A_455 = vector.broadcast %jit3A_453 : i32 to vector<16xi32>
      %select_n3A_456 = arith.select %lt3A_451, %broadcast_in_dim3A_454, %broadcast_in_dim3A_455 : vector<16xi1>, vector<16xi32>
      %add3A_457 = arith.addi %broadcast_in_dim3A_15, %select_n3A_456 : vector<16xi32>
      %get3A_458 = arith.constant 48 : index
      %get3A_459 = tpu.vector_load %arg8[%get3A_458] {strides = array<i32>} : memref<240xi32, #tpu.memory_space<vmem>>, vector<16xi32>,
      %get3A_460 = vector.shape_cast %get3A_459 : vector<16xi32> to vector<16xi32>
      %lt3A_461 = arith.cmpi slt, %get3A_460, %add3A_6 : vector<16xi32>
      %jit3A_462 = arith.constant 1 : i32
      %jit3A_463 = arith.constant 0 : i32
      %broadcast_in_dim3A_464 = vector.broadcast %jit3A_462 : i32 to vector<16xi32>
      %broadcast_in_dim3A_465 = vector.broadcast %jit3A_463 : i32 to vector<16xi32>
      %select_n3A_466 = arith.select %lt3A_461, %broadcast_in_dim3A_464, %broadcast_in_dim3A_465 : vector<16xi1>, vector<16xi32>
      %add3A_467 = arith.addi %add3A_437, %select_n3A_466 : vector<16xi32>
      %get3A_468 = arith.constant 64 : index
      %get3A_469 = tpu.vector_load %arg8[%get3A_468] {strides = array<i32>} : memref<240xi32, #tpu.memory_space<vmem>>, vector<16xi32>,
      %get3A_470 = vector.shape_cast %get3A_469 : vector<16xi32> to vector<16xi32>
      %lt3A_471 = arith.cmpi slt, %get3A_470, %add3A_10 : vector<16xi32>
      %jit3A_472 = arith.constant 1 : i32
      %jit3A_473 = arith.constant 0 : i32
      %broadcast_in_dim3A_474 = vector.broadcast %jit3A_472 : i32 to vector<16xi32>
      %broadcast_in_dim3A_475 = vector.broadcast %jit3A_473 : i32 to vector<16xi32>
      %select_n3A_476 = arith.select %lt3A_471, %broadcast_in_dim3A_474, %broadcast_in_dim3A_475 : vector<16xi1>, vector<16xi32>
      %add3A_477 = arith.addi %add3A_447, %select_n3A_476 : vector<16xi32>
      %get3A_478 = arith.constant 80 : index
      %get3A_479 = tpu.vector_load %arg8[%get3A_478] {strides = array<i32>} : memref<240xi32, #tpu.memory_space<vmem>>, vector<16xi32>,
      %get3A_480 = vector.shape_cast %get3A_479 : vector<16xi32> to vector<16xi32>
      %lt3A_481 = arith.cmpi slt, %get3A_480, %add3A_14 : vector<16xi32>
      %jit3A_482 = arith.constant 1 : i32
      %jit3A_483 = arith.constant 0 : i32
      %broadcast_in_dim3A_484 = vector.broadcast %jit3A_482 : i32 to vector<16xi32>
      %broadcast_in_dim3A_485 = vector.broadcast %jit3A_483 : i32 to vector<16xi32>
      %select_n3A_486 = arith.select %lt3A_481, %broadcast_in_dim3A_484, %broadcast_in_dim3A_485 : vector<16xi1>, vector<16xi32>
      %add3A_487 = arith.addi %add3A_457, %select_n3A_486 : vector<16xi32>
      %get3A_488 = arith.constant 96 : index
      %get3A_489 = tpu.vector_load %arg8[%get3A_488] {strides = array<i32>} : memref<240xi32, #tpu.memory_space<vmem>>, vector<16xi32>,
      %get3A_490 = vector.shape_cast %get3A_489 : vector<16xi32> to vector<16xi32>
      %lt3A_491 = arith.cmpi slt, %get3A_490, %add3A_6 : vector<16xi32>
      %jit3A_492 = arith.constant 1 : i32
      %jit3A_493 = arith.constant 0 : i32
      %broadcast_in_dim3A_494 = vector.broadcast %jit3A_492 : i32 to vector<16xi32>
      %broadcast_in_dim3A_495 = vector.broadcast %jit3A_493 : i32 to vector<16xi32>
      %select_n3A_496 = arith.select %lt3A_491, %broadcast_in_dim3A_494, %broadcast_in_dim3A_495 : vector<16xi1>, vector<16xi32>
      %add3A_497 = arith.addi %add3A_467, %select_n3A_496 : vector<16xi32>
      %get3A_498 = arith.constant 112 : index
      %get3A_499 = tpu.vector_load %arg8[%get3A_498] {strides = array<i32>} : memref<240xi32, #tpu.memory_space<vmem>>, vector<16xi32>,
      %get3A_500 = vector.shape_cast %get3A_499 : vector<16xi32> to vector<16xi32>
      %lt3A_501 = arith.cmpi slt, %get3A_500, %add3A_10 : vector<16xi32>
      %jit3A_502 = arith.constant 1 : i32
      %jit3A_503 = arith.constant 0 : i32
      %broadcast_in_dim3A_504 = vector.broadcast %jit3A_502 : i32 to vector<16xi32>
      %broadcast_in_dim3A_505 = vector.broadcast %jit3A_503 : i32 to vector<16xi32>
      %select_n3A_506 = arith.select %lt3A_501, %broadcast_in_dim3A_504, %broadcast_in_dim3A_505 : vector<16xi1>, vector<16xi32>
      %add3A_507 = arith.addi %add3A_477, %select_n3A_506 : vector<16xi32>
      %get3A_508 = arith.constant 128 : index
      %get3A_509 = tpu.vector_load %arg8[%get3A_508] {strides = array<i32>} : memref<240xi32, #tpu.memory_space<vmem>>, vector<16xi32>,
      %get3A_510 = vector.shape_cast %get3A_509 : vector<16xi32> to vector<16xi32>
      %lt3A_511 = arith.cmpi slt, %get3A_510, %add3A_14 : vector<16xi32>
      %jit3A_512 = arith.constant 1 : i32
      %jit3A_513 = arith.constant 0 : i32
      %broadcast_in_dim3A_514 = vector.broadcast %jit3A_512 : i32 to vector<16xi32>
      %broadcast_in_dim3A_515 = vector.broadcast %jit3A_513 : i32 to vector<16xi32>
      %select_n3A_516 = arith.select %lt3A_511, %broadcast_in_dim3A_514, %broadcast_in_dim3A_515 : vector<16xi1>, vector<16xi32>
      %add3A_517 = arith.addi %add3A_487, %select_n3A_516 : vector<16xi32>
      %get3A_518 = arith.constant 144 : index
      %get3A_519 = tpu.vector_load %arg8[%get3A_518] {strides = array<i32>} : memref<240xi32, #tpu.memory_space<vmem>>, vector<16xi32>,
      %get3A_520 = vector.shape_cast %get3A_519 : vector<16xi32> to vector<16xi32>
      %lt3A_521 = arith.cmpi slt, %get3A_520, %add3A_6 : vector<16xi32>
      %jit3A_522 = arith.constant 1 : i32
      %jit3A_523 = arith.constant 0 : i32
      %broadcast_in_dim3A_524 = vector.broadcast %jit3A_522 : i32 to vector<16xi32>
      %broadcast_in_dim3A_525 = vector.broadcast %jit3A_523 : i32 to vector<16xi32>
      %select_n3A_526 = arith.select %lt3A_521, %broadcast_in_dim3A_524, %broadcast_in_dim3A_525 : vector<16xi1>, vector<16xi32>
      %add3A_527 = arith.addi %add3A_497, %select_n3A_526 : vector<16xi32>
      %get3A_528 = arith.constant 160 : index
      %get3A_529 = tpu.vector_load %arg8[%get3A_528] {strides = array<i32>} : memref<240xi32, #tpu.memory_space<vmem>>, vector<16xi32>,
      %get3A_530 = vector.shape_cast %get3A_529 : vector<16xi32> to vector<16xi32>
      %lt3A_531 = arith.cmpi slt, %get3A_530, %add3A_10 : vector<16xi32>
      %jit3A_532 = arith.constant 1 : i32
      %jit3A_533 = arith.constant 0 : i32
      %broadcast_in_dim3A_534 = vector.broadcast %jit3A_532 : i32 to vector<16xi32>
      %broadcast_in_dim3A_535 = vector.broadcast %jit3A_533 : i32 to vector<16xi32>
      %select_n3A_536 = arith.select %lt3A_531, %broadcast_in_dim3A_534, %broadcast_in_dim3A_535 : vector<16xi1>, vector<16xi32>
      %add3A_537 = arith.addi %add3A_507, %select_n3A_536 : vector<16xi32>
      %get3A_538 = arith.constant 176 : index
      %get3A_539 = tpu.vector_load %arg8[%get3A_538] {strides = array<i32>} : memref<240xi32, #tpu.memory_space<vmem>>, vector<16xi32>,
      %get3A_540 = vector.shape_cast %get3A_539 : vector<16xi32> to vector<16xi32>
      %lt3A_541 = arith.cmpi slt, %get3A_540, %add3A_14 : vector<16xi32>
      %jit3A_542 = arith.constant 1 : i32
      %jit3A_543 = arith.constant 0 : i32
      %broadcast_in_dim3A_544 = vector.broadcast %jit3A_542 : i32 to vector<16xi32>
      %broadcast_in_dim3A_545 = vector.broadcast %jit3A_543 : i32 to vector<16xi32>
      %select_n3A_546 = arith.select %lt3A_541, %broadcast_in_dim3A_544, %broadcast_in_dim3A_545 : vector<16xi1>, vector<16xi32>
      %add3A_547 = arith.addi %add3A_517, %select_n3A_546 : vector<16xi32>
      %get3A_548 = arith.constant 192 : index
      %get3A_549 = tpu.vector_load %arg8[%get3A_548] {strides = array<i32>} : memref<240xi32, #tpu.memory_space<vmem>>, vector<16xi32>,
      %get3A_550 = vector.shape_cast %get3A_549 : vector<16xi32> to vector<16xi32>
      %lt3A_551 = arith.cmpi slt, %get3A_550, %add3A_6 : vector<16xi32>
      %jit3A_552 = arith.constant 1 : i32
      %jit3A_553 = arith.constant 0 : i32
      %broadcast_in_dim3A_554 = vector.broadcast %jit3A_552 : i32 to vector<16xi32>
      %broadcast_in_dim3A_555 = vector.broadcast %jit3A_553 : i32 to vector<16xi32>
      %select_n3A_556 = arith.select %lt3A_551, %broadcast_in_dim3A_554, %broadcast_in_dim3A_555 : vector<16xi1>, vector<16xi32>
      %add3A_557 = arith.addi %add3A_527, %select_n3A_556 : vector<16xi32>
      %get3A_558 = arith.constant 208 : index
      %get3A_559 = tpu.vector_load %arg8[%get3A_558] {strides = array<i32>} : memref<240xi32, #tpu.memory_space<vmem>>, vector<16xi32>,
      %get3A_560 = vector.shape_cast %get3A_559 : vector<16xi32> to vector<16xi32>
      %lt3A_561 = arith.cmpi slt, %get3A_560, %add3A_10 : vector<16xi32>
      %jit3A_562 = arith.constant 1 : i32
      %jit3A_563 = arith.constant 0 : i32
      %broadcast_in_dim3A_564 = vector.broadcast %jit3A_562 : i32 to vector<16xi32>
      %broadcast_in_dim3A_565 = vector.broadcast %jit3A_563 : i32 to vector<16xi32>
      %select_n3A_566 = arith.select %lt3A_561, %broadcast_in_dim3A_564, %broadcast_in_dim3A_565 : vector<16xi1>, vector<16xi32>
      %add3A_567 = arith.addi %add3A_537, %select_n3A_566 : vector<16xi32>
      %get3A_568 = arith.constant 224 : index
      %get3A_569 = tpu.vector_load %arg8[%get3A_568] {strides = array<i32>} : memref<240xi32, #tpu.memory_space<vmem>>, vector<16xi32>,
      %get3A_570 = vector.shape_cast %get3A_569 : vector<16xi32> to vector<16xi32>
      %lt3A_571 = arith.cmpi slt, %get3A_570, %add3A_14 : vector<16xi32>
      %jit3A_572 = arith.constant 1 : i32
      %jit3A_573 = arith.constant 0 : i32
      %broadcast_in_dim3A_574 = vector.broadcast %jit3A_572 : i32 to vector<16xi32>
      %broadcast_in_dim3A_575 = vector.broadcast %jit3A_573 : i32 to vector<16xi32>
      %select_n3A_576 = arith.select %lt3A_571, %broadcast_in_dim3A_574, %broadcast_in_dim3A_575 : vector<16xi1>, vector<16xi32>
      %add3A_577 = arith.addi %add3A_547, %select_n3A_576 : vector<16xi32>
      %mul3A_578 = arith.muli %add3A_557, %max3A_181 : vector<16xi32>
      %add3A_579 = arith.addi %scan3A_165, %mul3A_578 : vector<16xi32>
      %min3A_580 = arith.constant 320000 : i32
      %min3A_581 = vector.broadcast %min3A_580 : i32 to vector<16xi32>
      %min3A_582 = arith.minsi %add3A_579, %min3A_581 : vector<16xi32>
      %add3A_583 = arith.constant 1 : i32
      %add3A_584 = vector.broadcast %add3A_583 : i32 to vector<16xi32>
      %add3A_585 = arith.addi %add3A_557, %add3A_584 : vector<16xi32>
      %mul3A_586 = arith.muli %add3A_585, %max3A_181 : vector<16xi32>
      %add3A_587 = arith.addi %scan3A_165, %mul3A_586 : vector<16xi32>
      %sub3A_588 = arith.constant 1 : i32
      %sub3A_589 = vector.broadcast %sub3A_588 : i32 to vector<16xi32>
      %sub3A_590 = arith.subi %add3A_587, %sub3A_589 : vector<16xi32>
      %min3A_591 = arith.minsi %sub3A_590, %scan3A_168 : vector<16xi32>
      %lt3A_592 = arith.constant 5 : i32
      %lt3A_593 = vector.broadcast %lt3A_592 : i32 to vector<16xi32>
      %lt3A_594 = arith.cmpi slt, %add3A_557, %lt3A_593 : vector<16xi32>
      %select_n3A_595 = arith.select %lt3A_594, %min3A_591, %scan3A_168 : vector<16xi1>, vector<16xi32>
      %mul3A_596 = arith.muli %add3A_567, %max3A_194 : vector<16xi32>
      %add3A_597 = arith.addi %scan3A_166, %mul3A_596 : vector<16xi32>
      %min3A_598 = arith.constant 320000 : i32
      %min3A_599 = vector.broadcast %min3A_598 : i32 to vector<16xi32>
      %min3A_600 = arith.minsi %add3A_597, %min3A_599 : vector<16xi32>
      %add3A_601 = arith.constant 1 : i32
      %add3A_602 = vector.broadcast %add3A_601 : i32 to vector<16xi32>
      %add3A_603 = arith.addi %add3A_567, %add3A_602 : vector<16xi32>
      %mul3A_604 = arith.muli %add3A_603, %max3A_194 : vector<16xi32>
      %add3A_605 = arith.addi %scan3A_166, %mul3A_604 : vector<16xi32>
      %sub3A_606 = arith.constant 1 : i32
      %sub3A_607 = vector.broadcast %sub3A_606 : i32 to vector<16xi32>
      %sub3A_608 = arith.subi %add3A_605, %sub3A_607 : vector<16xi32>
      %min3A_609 = arith.minsi %sub3A_608, %scan3A_169 : vector<16xi32>
      %lt3A_610 = arith.constant 5 : i32
      %lt3A_611 = vector.broadcast %lt3A_610 : i32 to vector<16xi32>
      %lt3A_612 = arith.cmpi slt, %add3A_567, %lt3A_611 : vector<16xi32>
      %select_n3A_613 = arith.select %lt3A_612, %min3A_609, %scan3A_169 : vector<16xi1>, vector<16xi32>
      %mul3A_614 = arith.muli %add3A_577, %max3A_207 : vector<16xi32>
      %add3A_615 = arith.addi %scan3A_167, %mul3A_614 : vector<16xi32>
      %min3A_616 = arith.constant 320000 : i32
      %min3A_617 = vector.broadcast %min3A_616 : i32 to vector<16xi32>
      %min3A_618 = arith.minsi %add3A_615, %min3A_617 : vector<16xi32>
      %add3A_619 = arith.constant 1 : i32
      %add3A_620 = vector.broadcast %add3A_619 : i32 to vector<16xi32>
      %add3A_621 = arith.addi %add3A_577, %add3A_620 : vector<16xi32>
      %mul3A_622 = arith.muli %add3A_621, %max3A_207 : vector<16xi32>
      %add3A_623 = arith.addi %scan3A_167, %mul3A_622 : vector<16xi32>
      %sub3A_624 = arith.constant 1 : i32
      %sub3A_625 = vector.broadcast %sub3A_624 : i32 to vector<16xi32>
      %sub3A_626 = arith.subi %add3A_623, %sub3A_625 : vector<16xi32>
      %min3A_627 = arith.minsi %sub3A_626, %scan3A_170 : vector<16xi32>
      %lt3A_628 = arith.constant 5 : i32
      %lt3A_629 = vector.broadcast %lt3A_628 : i32 to vector<16xi32>
      %lt3A_630 = arith.cmpi slt, %add3A_577, %lt3A_629 : vector<16xi32>
      %select_n3A_631 = arith.select %lt3A_630, %min3A_627, %scan3A_170 : vector<16xi1>, vector<16xi32>
      scf.yield %min3A_582, %min3A_600, %min3A_618, %select_n3A_595, %select_n3A_613, %select_n3A_631 : vector<16xi32>, vector<16xi32>, vector<16xi32>, vector<16xi32>, vector<16xi32>, vector<16xi32>
    }
    %scan3A_26 = arith.constant 8 : i32
    %swap3A = arith.constant 0 : index
    %swap3A_27 = tpu.vector_load %arg6[%swap3A] {strides = array<i32>} : memref<48xi32, #tpu.memory_space<vmem>>, vector<16xi32>,
    %swap3A_28 = vector.shape_cast %swap3A_27 : vector<16xi32> to vector<16xi32>
    %swap3A_29 = vector.shape_cast %scan3A_25#0 : vector<16xi32> to vector<16xi32>
    tpu.vector_store %arg6[%swap3A], %swap3A_29 {strides = array<i32>} : memref<48xi32, #tpu.memory_space<vmem>>, vector<16xi32>,
    %swap3A_30 = arith.constant 16 : index
    %swap3A_31 = tpu.vector_load %arg6[%swap3A_30] {strides = array<i32>} : memref<48xi32, #tpu.memory_space<vmem>>, vector<16xi32>,
    %swap3A_32 = vector.shape_cast %swap3A_31 : vector<16xi32> to vector<16xi32>
    %swap3A_33 = vector.shape_cast %scan3A_25#1 : vector<16xi32> to vector<16xi32>
    tpu.vector_store %arg6[%swap3A_30], %swap3A_33 {strides = array<i32>} : memref<48xi32, #tpu.memory_space<vmem>>, vector<16xi32>,
    %swap3A_34 = arith.constant 32 : index
    %swap3A_35 = tpu.vector_load %arg6[%swap3A_34] {strides = array<i32>} : memref<48xi32, #tpu.memory_space<vmem>>, vector<16xi32>,
    %swap3A_36 = vector.shape_cast %swap3A_35 : vector<16xi32> to vector<16xi32>
    %swap3A_37 = vector.shape_cast %scan3A_25#2 : vector<16xi32> to vector<16xi32>
    tpu.vector_store %arg6[%swap3A_34], %swap3A_37 {strides = array<i32>} : memref<48xi32, #tpu.memory_space<vmem>>, vector<16xi32>,
    %slice3A = vector.extract_strided_slice %scan3A_25#0 {offsets = [0], sizes = [1], strides = [1]} : vector<16xi32> to vector<1xi32>
    %squeeze3A = vector.extract %slice3A[0] : i32 from vector<1xi32>
    %jit3A = arith.constant 8 : i32
    %div3A = arith.divsi %squeeze3A, %jit3A : i32
    %sign3A = arith.constant 0 : i32
    %sign3A_38 = arith.cmpi sgt, %squeeze3A, %sign3A : i32
    %sign3A_39 = arith.extui %sign3A_38 : i1 to i32
    %sign3A_40 = arith.constant 0 : i32
    %sign3A_41 = arith.cmpi slt, %squeeze3A, %sign3A_40 : i32
    %sign3A_42 = arith.extui %sign3A_41 : i1 to i32
    %sign3A_43 = arith.subi %sign3A_39, %sign3A_42 : i32
    %sign3A_44 = arith.constant 0 : i32
    %sign3A_45 = arith.cmpi sgt, %jit3A, %sign3A_44 : i32
    %sign3A_46 = arith.extui %sign3A_45 : i1 to i32
    %sign3A_47 = arith.constant 0 : i32
    %sign3A_48 = arith.cmpi slt, %jit3A, %sign3A_47 : i32
    %sign3A_49 = arith.extui %sign3A_48 : i1 to i32
    %sign3A_50 = arith.subi %sign3A_46, %sign3A_49 : i32
    %ne3A = arith.cmpi ne, %sign3A_43, %sign3A_50 : i32
    %rem3A = arith.remsi %squeeze3A, %jit3A : i32
    %ne3A_51 = arith.constant 0 : i32
    %ne3A_52 = arith.cmpi ne, %rem3A, %ne3A_51 : i32
    %and3A = arith.andi %ne3A, %ne3A_52 : i1
    %sub3A = arith.constant 1 : i32
    %sub3A_53 = arith.subi %div3A, %sub3A : i32
    %select_n3A = arith.select %and3A, %sub3A_53, %div3A : i32
    %mul3A_54 = arith.constant 8 : i32
    %mul3A_55 = arith.muli %select_n3A, %mul3A_54 : i32
    %min3A = arith.constant 319808 : i32
    %min3A_56 = arith.minsi %mul3A_55, %min3A : i32
    %multiple_of3A_57 = tpu.assume_multiple %min3A_56, 8 : i32
    %run_scoped3A = arith.constant 0 : i32
    "tpu.region"() ({
      %run_scoped3A_164 = tpu.sem_alloc : memref<!tpu.dma_semaphore, #tpu.memory_space<semaphore_mem>>
      %dma_start3A_165 = arith.constant 0 : i32
      %dma_start3A_166 = arith.constant 0 : i32
      %dma_start3A_167 = tpu.memref_slice %arg5[%run_scoped3A, %dma_start3A_165, %dma_start3A_166] : memref<4x192x128xf32, #tpu.memory_space<vmem>> -> memref<1x192x128xf32, #tpu.memory_space<vmem>>
      %dma_start3A_168 = tpu.memref_squeeze %dma_start3A_167 : memref<1x192x128xf32, #tpu.memory_space<vmem>> -> memref<192x128xf32, #tpu.memory_space<vmem>>
      %dma_start3A_169 = arith.constant 0 : i32
      %dma_start3A_170 = tpu.memref_slice %arg2[%multiple_of3A_57, %dma_start3A_169] : memref<320000x128xf32, #tpu.memory_space<hbm>> -> memref<192x128xf32, #tpu.memory_space<hbm>>
      %dma_start3A_171 = arith.constant 0 : i32
      %dma_start3A_172 = arith.constant 0 : i32
      %dma_start3A_173 = tpu.memref_slice %arg5[%run_scoped3A, %dma_start3A_171, %dma_start3A_172] : memref<4x192x128xf32, #tpu.memory_space<vmem>> -> memref<1x192x128xf32, #tpu.memory_space<vmem>>
      %dma_start3A_174 = tpu.memref_squeeze %dma_start3A_173 : memref<1x192x128xf32, #tpu.memory_space<vmem>> -> memref<192x128xf32, #tpu.memory_space<vmem>>
      %dma_start3A_175 = arith.constant 0 : i32
      %dma_start3A_176 = tpu.memref_slice %arg2[%multiple_of3A_57, %dma_start3A_175] : memref<320000x128xf32, #tpu.memory_space<hbm>> -> memref<192x128xf32, #tpu.memory_space<hbm>>
      tpu.enqueue_dma source(%dma_start3A_176 : memref<192x128xf32, #tpu.memory_space<hbm>>) target(%dma_start3A_174 : memref<192x128xf32, #tpu.memory_space<vmem>>) target_semaphore(%run_scoped3A_164 : memref<!tpu.dma_semaphore, #tpu.memory_space<semaphore_mem>>)
      %dma_wait3A_177 = arith.constant 0 : i32
      %dma_wait3A_178 = arith.constant 0 : i32
      %dma_wait3A_179 = tpu.memref_slice %arg5[%run_scoped3A, %dma_wait3A_177, %dma_wait3A_178] : memref<4x192x128xf32, #tpu.memory_space<vmem>> -> memref<1x192x128xf32, #tpu.memory_space<vmem>>
      %dma_wait3A_180 = tpu.memref_squeeze %dma_wait3A_179 : memref<1x192x128xf32, #tpu.memory_space<vmem>> -> memref<192x128xf32, #tpu.memory_space<vmem>>
      %dma_wait3A_181 = arith.constant 0 : i32
      %dma_wait3A_182 = tpu.memref_slice %arg2[%multiple_of3A_57, %dma_wait3A_181] : memref<320000x128xf32, #tpu.memory_space<hbm>> -> memref<192x128xf32, #tpu.memory_space<hbm>>
      %dma_wait3A_183 = arith.constant 0 : i32
      %dma_wait3A_184 = arith.constant 0 : i32
      %dma_wait3A_185 = tpu.memref_slice %arg5[%run_scoped3A, %dma_wait3A_183, %dma_wait3A_184] : memref<4x192x128xf32, #tpu.memory_space<vmem>> -> memref<1x192x128xf32, #tpu.memory_space<vmem>>
      %dma_wait3A_186 = tpu.memref_squeeze %dma_wait3A_185 : memref<1x192x128xf32, #tpu.memory_space<vmem>> -> memref<192x128xf32, #tpu.memory_space<vmem>>
      %dma_wait3A_187 = arith.constant 0 : i32
      %dma_wait3A_188 = tpu.memref_slice %arg2[%multiple_of3A_57, %dma_wait3A_187] : memref<320000x128xf32, #tpu.memory_space<hbm>> -> memref<192x128xf32, #tpu.memory_space<hbm>>
      tpu.wait_dma2 semaphore(%run_scoped3A_164 : memref<!tpu.dma_semaphore, #tpu.memory_space<semaphore_mem>>) src(%dma_wait3A_188 : memref<192x128xf32, #tpu.memory_space<hbm>>) dst(%dma_wait3A_186 : memref<192x128xf32, #tpu.memory_space<vmem>>)
      tpu.yield
    }) : () -> ()
    %add3A_58 = arith.constant 192 : i32
    %add3A_59 = arith.addi %mul3A_55, %add3A_58 : i32
    %min3A_60 = arith.constant 319808 : i32
    %min3A_61 = arith.minsi %add3A_59, %min3A_60 : i32
    %multiple_of3A_62 = tpu.assume_multiple %min3A_61, 8 : i32
    %dma_start3A = arith.constant 1 : i32
    %dma_start3A_63 = arith.constant 0 : i32
    %dma_start3A_64 = arith.constant 0 : i32
    %dma_start3A_65 = tpu.memref_slice %arg5[%dma_start3A, %dma_start3A_63, %dma_start3A_64] : memref<4x192x128xf32, #tpu.memory_space<vmem>> -> memref<1x192x128xf32, #tpu.memory_space<vmem>>
    %dma_start3A_66 = tpu.memref_squeeze %dma_start3A_65 : memref<1x192x128xf32, #tpu.memory_space<vmem>> -> memref<192x128xf32, #tpu.memory_space<vmem>>
    %dma_start3A_67 = arith.constant 0 : i32
    %dma_start3A_68 = tpu.memref_slice %arg2[%multiple_of3A_62, %dma_start3A_67] : memref<320000x128xf32, #tpu.memory_space<hbm>> -> memref<192x128xf32, #tpu.memory_space<hbm>>
    %dma_start3A_69 = arith.constant 0 : i32
    %dma_start3A_70 = arith.constant 0 : i32
    %dma_start3A_71 = tpu.memref_slice %arg5[%dma_start3A, %dma_start3A_69, %dma_start3A_70] : memref<4x192x128xf32, #tpu.memory_space<vmem>> -> memref<1x192x128xf32, #tpu.memory_space<vmem>>
    %dma_start3A_72 = tpu.memref_squeeze %dma_start3A_71 : memref<1x192x128xf32, #tpu.memory_space<vmem>> -> memref<192x128xf32, #tpu.memory_space<vmem>>
    %dma_start3A_73 = arith.constant 0 : i32
    %dma_start3A_74 = tpu.memref_slice %arg2[%multiple_of3A_62, %dma_start3A_73] : memref<320000x128xf32, #tpu.memory_space<hbm>> -> memref<192x128xf32, #tpu.memory_space<hbm>>
    tpu.enqueue_dma source(%dma_start3A_74 : memref<192x128xf32, #tpu.memory_space<hbm>>) target(%dma_start3A_72 : memref<192x128xf32, #tpu.memory_space<vmem>>) target_semaphore(%arg10 : memref<!tpu.dma_semaphore, #tpu.memory_space<semaphore_mem>>)
    %add3A_75 = arith.constant 384 : i32
    %add3A_76 = arith.addi %mul3A_55, %add3A_75 : i32
    %min3A_77 = arith.constant 319808 : i32
    %min3A_78 = arith.minsi %add3A_76, %min3A_77 : i32
    %multiple_of3A_79 = tpu.assume_multiple %min3A_78, 8 : i32
    %dma_start3A_80 = arith.constant 2 : i32
    %dma_start3A_81 = arith.constant 0 : i32
    %dma_start3A_82 = arith.constant 0 : i32
    %dma_start3A_83 = tpu.memref_slice %arg5[%dma_start3A_80, %dma_start3A_81, %dma_start3A_82] : memref<4x192x128xf32, #tpu.memory_space<vmem>> -> memref<1x192x128xf32, #tpu.memory_space<vmem>>
    %dma_start3A_84 = tpu.memref_squeeze %dma_start3A_83 : memref<1x192x128xf32, #tpu.memory_space<vmem>> -> memref<192x128xf32, #tpu.memory_space<vmem>>
    %dma_start3A_85 = arith.constant 0 : i32
    %dma_start3A_86 = tpu.memref_slice %arg2[%multiple_of3A_79, %dma_start3A_85] : memref<320000x128xf32, #tpu.memory_space<hbm>> -> memref<192x128xf32, #tpu.memory_space<hbm>>
    %dma_start3A_87 = arith.constant 0 : i32
    %dma_start3A_88 = arith.constant 0 : i32
    %dma_start3A_89 = tpu.memref_slice %arg5[%dma_start3A_80, %dma_start3A_87, %dma_start3A_88] : memref<4x192x128xf32, #tpu.memory_space<vmem>> -> memref<1x192x128xf32, #tpu.memory_space<vmem>>
    %dma_start3A_90 = tpu.memref_squeeze %dma_start3A_89 : memref<1x192x128xf32, #tpu.memory_space<vmem>> -> memref<192x128xf32, #tpu.memory_space<vmem>>
    %dma_start3A_91 = arith.constant 0 : i32
    %dma_start3A_92 = tpu.memref_slice %arg2[%multiple_of3A_79, %dma_start3A_91] : memref<320000x128xf32, #tpu.memory_space<hbm>> -> memref<192x128xf32, #tpu.memory_space<hbm>>
    tpu.enqueue_dma source(%dma_start3A_92 : memref<192x128xf32, #tpu.memory_space<hbm>>) target(%dma_start3A_90 : memref<192x128xf32, #tpu.memory_space<vmem>>) target_semaphore(%arg10 : memref<!tpu.dma_semaphore, #tpu.memory_space<semaphore_mem>>)
    %add3A_93 = arith.constant 576 : i32
    %add3A_94 = arith.addi %mul3A_55, %add3A_93 : i32
    %min3A_95 = arith.constant 319808 : i32
    %min3A_96 = arith.minsi %add3A_94, %min3A_95 : i32
    %multiple_of3A_97 = tpu.assume_multiple %min3A_96, 8 : i32
    %dma_start3A_98 = arith.constant 3 : i32
    %dma_start3A_99 = arith.constant 0 : i32
    %dma_start3A_100 = arith.constant 0 : i32
    %dma_start3A_101 = tpu.memref_slice %arg5[%dma_start3A_98, %dma_start3A_99, %dma_start3A_100] : memref<4x192x128xf32, #tpu.memory_space<vmem>> -> memref<1x192x128xf32, #tpu.memory_space<vmem>>
    %dma_start3A_102 = tpu.memref_squeeze %dma_start3A_101 : memref<1x192x128xf32, #tpu.memory_space<vmem>> -> memref<192x128xf32, #tpu.memory_space<vmem>>
    %dma_start3A_103 = arith.constant 0 : i32
    %dma_start3A_104 = tpu.memref_slice %arg2[%multiple_of3A_97, %dma_start3A_103] : memref<320000x128xf32, #tpu.memory_space<hbm>> -> memref<192x128xf32, #tpu.memory_space<hbm>>
    %dma_start3A_105 = arith.constant 0 : i32
    %dma_start3A_106 = arith.constant 0 : i32
    %dma_start3A_107 = tpu.memref_slice %arg5[%dma_start3A_98, %dma_start3A_105, %dma_start3A_106] : memref<4x192x128xf32, #tpu.memory_space<vmem>> -> memref<1x192x128xf32, #tpu.memory_space<vmem>>
    %dma_start3A_108 = tpu.memref_squeeze %dma_start3A_107 : memref<1x192x128xf32, #tpu.memory_space<vmem>> -> memref<192x128xf32, #tpu.memory_space<vmem>>
    %dma_start3A_109 = arith.constant 0 : i32
    %dma_start3A_110 = tpu.memref_slice %arg2[%multiple_of3A_97, %dma_start3A_109] : memref<320000x128xf32, #tpu.memory_space<hbm>> -> memref<192x128xf32, #tpu.memory_space<hbm>>
    tpu.enqueue_dma source(%dma_start3A_110 : memref<192x128xf32, #tpu.memory_space<hbm>>) target(%dma_start3A_108 : memref<192x128xf32, #tpu.memory_space<vmem>>) target_semaphore(%arg10 : memref<!tpu.dma_semaphore, #tpu.memory_space<semaphore_mem>>)
    %broadcast_in_dim3A_111 = arith.constant 0xFF800000 : f32
    %broadcast_in_dim3A_112 = vector.broadcast %broadcast_in_dim3A_111 : f32 to vector<16xf32>
    %scan3A_113 = arith.constant 0 : i32
    %scan3A_114 = arith.constant 0 : i32
    %scan3A_115 = arith.constant 32 : i32
    %scan3A_116 = arith.addi %scan3A_114, %scan3A_115 : i32
    %scan3A_117 = arith.constant 1 : i32
    %scan3A_118:2 = scf.for %scan3A_164 = %scan3A_114 to %scan3A_116 step %scan3A_117 iter_args(%scan3A_165 = %scan3A_113, %scan3A_166 = %mul3A_55) -> (i32, i32)  : i32 {
      %get3A = arith.index_cast %scan3A_164 : i32 to index
      %get3A_167 = tpu.vector_load %arg6[%get3A] {strides = array<i32>} : memref<48xi32, #tpu.memory_space<vmem>>, vector<16xi32>,
      %get3A_168 = vector.shape_cast %get3A_167 : vector<16xi32> to vector<16xi32>
      %slice3A_169 = vector.extract_strided_slice %get3A_168 {offsets = [0], sizes = [1], strides = [1]} : vector<16xi32> to vector<1xi32>
      %squeeze3A_170 = vector.extract %slice3A_169[0] : i32 from vector<1xi32>
      %slice3A_171 = vector.extract_strided_slice %get3A_168 {offsets = [1], sizes = [1], strides = [1]} : vector<16xi32> to vector<1xi32>
      %squeeze3A_172 = vector.extract %slice3A_171[0] : i32 from vector<1xi32>
      %while3A = arith.subi %squeeze3A_172, %squeeze3A_170 : i32
      %while3A_173 = arith.addi %squeeze3A_170, %while3A : i32
      %while3A_174 = arith.constant 1 : i32
      %while3A_175 = arith.divsi %while3A, %while3A_174 : i32
      %while3A_176 = arith.muli %while3A_175, %while3A_174 : i32
      %while3A_177 = arith.addi %squeeze3A_170, %while3A_176 : i32
      %while3A_178 = arith.constant 1 : i32
      %while3A_179:10 = scf.for %while3A_222 = %squeeze3A_170 to %while3A_177 step %while3A_178 iter_args(%while3A_223 = %scan3A_165, %while3A_224 = %scan3A_166, %while3A_225 = %broadcast_in_dim3A_112, %while3A_226 = %broadcast_in_dim3A_112, %while3A_227 = %broadcast_in_dim3A_112, %while3A_228 = %broadcast_in_dim3A_112, %while3A_229 = %broadcast_in_dim3A_112, %while3A_230 = %broadcast_in_dim3A_112, %while3A_231 = %broadcast_in_dim3A_112, %while3A_232 = %broadcast_in_dim3A_112) -> (i32, i32, vector<16xf32>, vector<16xf32>, vector<16xf32>, vector<16xf32>, vector<16xf32>, vector<16xf32>, vector<16xf32>, vector<16xf32>)  : i32 {
        %add3A_233 = arith.constant 192 : i32
        %add3A_234 = arith.addi %while3A_224, %add3A_233 : i32
        %ge3A = arith.cmpi sge, %while3A_222, %add3A_234 : i32
        %convert_element_type3A = arith.extui %ge3A : i1 to i32
        %cond3A = arith.constant 0 : i32
        %cond3A_235 = arith.cmpi ne, %convert_element_type3A, %cond3A : i32
        scf.if %cond3A_235 {
          %dma_wait3A_294 = arith.constant 0 : i32
          %dma_wait3A_295 = arith.constant 0 : i32
          %dma_wait3A_296 = arith.constant 0 : i32
          %dma_wait3A_297 = tpu.memref_slice %arg5[%dma_wait3A_294, %dma_wait3A_295, %dma_wait3A_296] : memref<4x192x128xf32, #tpu.memory_space<vmem>> -> memref<1x192x128xf32, #tpu.memory_space<vmem>>
          %dma_wait3A_298 = tpu.memref_squeeze %dma_wait3A_297 : memref<1x192x128xf32, #tpu.memory_space<vmem>> -> memref<192x128xf32, #tpu.memory_space<vmem>>
          %dma_wait3A_299 = arith.constant 0 : i32
          %dma_wait3A_300 = arith.constant 0 : i32
          %dma_wait3A_301 = tpu.memref_slice %arg2[%dma_wait3A_299, %dma_wait3A_300] : memref<320000x128xf32, #tpu.memory_space<hbm>> -> memref<192x128xf32, #tpu.memory_space<hbm>>
          %dma_wait3A_302 = arith.constant 0 : i32
          %dma_wait3A_303 = arith.constant 0 : i32
          %dma_wait3A_304 = tpu.memref_slice %arg5[%dma_wait3A_294, %dma_wait3A_302, %dma_wait3A_303] : memref<4x192x128xf32, #tpu.memory_space<vmem>> -> memref<1x192x128xf32, #tpu.memory_space<vmem>>
          %dma_wait3A_305 = tpu.memref_squeeze %dma_wait3A_304 : memref<1x192x128xf32, #tpu.memory_space<vmem>> -> memref<192x128xf32, #tpu.memory_space<vmem>>
          %dma_wait3A_306 = arith.constant 0 : i32
          %dma_wait3A_307 = arith.constant 0 : i32
          %dma_wait3A_308 = tpu.memref_slice %arg2[%dma_wait3A_306, %dma_wait3A_307] : memref<320000x128xf32, #tpu.memory_space<hbm>> -> memref<192x128xf32, #tpu.memory_space<hbm>>
          tpu.wait_dma2 semaphore(%arg10 : memref<!tpu.dma_semaphore, #tpu.memory_space<semaphore_mem>>) src(%dma_wait3A_308 : memref<192x128xf32, #tpu.memory_space<hbm>>) dst(%dma_wait3A_305 : memref<192x128xf32, #tpu.memory_space<vmem>>)
          %add3A_309 = arith.constant 768 : i32
          %add3A_310 = arith.addi %while3A_224, %add3A_309 : i32
          %min3A_311 = arith.constant 319808 : i32
          %min3A_312 = arith.minsi %add3A_310, %min3A_311 : i32
          %multiple_of3A_313 = tpu.assume_multiple %min3A_312, 8 : i32
          %dma_start3A_314 = arith.constant 0 : i32
          %dma_start3A_315 = arith.constant 0 : i32
          %dma_start3A_316 = tpu.memref_slice %arg5[%while3A_223, %dma_start3A_314, %dma_start3A_315] : memref<4x192x128xf32, #tpu.memory_space<vmem>> -> memref<1x192x128xf32, #tpu.memory_space<vmem>>
          %dma_start3A_317 = tpu.memref_squeeze %dma_start3A_316 : memref<1x192x128xf32, #tpu.memory_space<vmem>> -> memref<192x128xf32, #tpu.memory_space<vmem>>
          %dma_start3A_318 = arith.constant 0 : i32
          %dma_start3A_319 = tpu.memref_slice %arg2[%multiple_of3A_313, %dma_start3A_318] : memref<320000x128xf32, #tpu.memory_space<hbm>> -> memref<192x128xf32, #tpu.memory_space<hbm>>
          %dma_start3A_320 = arith.constant 0 : i32
          %dma_start3A_321 = arith.constant 0 : i32
          %dma_start3A_322 = tpu.memref_slice %arg5[%while3A_223, %dma_start3A_320, %dma_start3A_321] : memref<4x192x128xf32, #tpu.memory_space<vmem>> -> memref<1x192x128xf32, #tpu.memory_space<vmem>>
          %dma_start3A_323 = tpu.memref_squeeze %dma_start3A_322 : memref<1x192x128xf32, #tpu.memory_space<vmem>> -> memref<192x128xf32, #tpu.memory_space<vmem>>
          %dma_start3A_324 = arith.constant 0 : i32
          %dma_start3A_325 = tpu.memref_slice %arg2[%multiple_of3A_313, %dma_start3A_324] : memref<320000x128xf32, #tpu.memory_space<hbm>> -> memref<192x128xf32, #tpu.memory_space<hbm>>
          tpu.enqueue_dma source(%dma_start3A_325 : memref<192x128xf32, #tpu.memory_space<hbm>>) target(%dma_start3A_323 : memref<192x128xf32, #tpu.memory_space<vmem>>) target_semaphore(%arg10 : memref<!tpu.dma_semaphore, #tpu.memory_space<semaphore_mem>>)
        } else {
        }
        %add3A_236 = arith.constant 192 : i32
        %add3A_237 = arith.addi %while3A_224, %add3A_236 : i32
        %select_n3A_238 = arith.select %ge3A, %add3A_237, %while3A_224 : i32
        %add3A_239 = arith.constant 1 : i32
        %add3A_240 = arith.addi %while3A_223, %add3A_239 : i32
        %and3A_241 = arith.constant 3 : i32
        %and3A_242 = arith.andi %add3A_240, %and3A_241 : i32
        %select_n3A_243 = arith.select %ge3A, %and3A_242, %while3A_223 : i32
        %min3A_244 = arith.constant 319808 : i32
        %min3A_245 = arith.minsi %select_n3A_238, %min3A_244 : i32
        %sub3A_246 = arith.subi %while3A_222, %min3A_245 : i32
        %get3A_247 = arith.index_cast %select_n3A_243 : i32 to index
        %get3A_248 = arith.index_cast %sub3A_246 : i32 to index
        %get3A_249 = arith.constant 0 : index
        %get3A_250 = tpu.vector_load %arg5[%get3A_247, %get3A_248, %get3A_249] {strides = array<i32>} : memref<4x192x128xf32, #tpu.memory_space<vmem>>, vector<1x1x16xf32>,
        %get3A_251 = vector.shape_cast %get3A_250 : vector<1x1x16xf32> to vector<16xf32>
        %max3A = arith.maximumf %while3A_225, %get3A_251 : vector<16xf32>
        %get3A_252 = arith.index_cast %select_n3A_243 : i32 to index
        %get3A_253 = arith.index_cast %sub3A_246 : i32 to index
        %get3A_254 = arith.constant 16 : index
        %get3A_255 = tpu.vector_load %arg5[%get3A_252, %get3A_253, %get3A_254] {strides = array<i32>} : memref<4x192x128xf32, #tpu.memory_space<vmem>>, vector<1x1x16xf32>,
        %get3A_256 = vector.shape_cast %get3A_255 : vector<1x1x16xf32> to vector<16xf32>
        %max3A_257 = arith.maximumf %while3A_226, %get3A_256 : vector<16xf32>
        %get3A_258 = arith.index_cast %select_n3A_243 : i32 to index
        %get3A_259 = arith.index_cast %sub3A_246 : i32 to index
        %get3A_260 = arith.constant 32 : index
        %get3A_261 = tpu.vector_load %arg5[%get3A_258, %get3A_259, %get3A_260] {strides = array<i32>} : memref<4x192x128xf32, #tpu.memory_space<vmem>>, vector<1x1x16xf32>,
        %get3A_262 = vector.shape_cast %get3A_261 : vector<1x1x16xf32> to vector<16xf32>
        %max3A_263 = arith.maximumf %while3A_227, %get3A_262 : vector<16xf32>
        %get3A_264 = arith.index_cast %select_n3A_243 : i32 to index
        %get3A_265 = arith.index_cast %sub3A_246 : i32 to index
        %get3A_266 = arith.constant 48 : index
        %get3A_267 = tpu.vector_load %arg5[%get3A_264, %get3A_265, %get3A_266] {strides = array<i32>} : memref<4x192x128xf32, #tpu.memory_space<vmem>>, vector<1x1x16xf32>,
        %get3A_268 = vector.shape_cast %get3A_267 : vector<1x1x16xf32> to vector<16xf32>
        %max3A_269 = arith.maximumf %while3A_228, %get3A_268 : vector<16xf32>
        %get3A_270 = arith.index_cast %select_n3A_243 : i32 to index
        %get3A_271 = arith.index_cast %sub3A_246 : i32 to index
        %get3A_272 = arith.constant 64 : index
        %get3A_273 = tpu.vector_load %arg5[%get3A_270, %get3A_271, %get3A_272] {strides = array<i32>} : memref<4x192x128xf32, #tpu.memory_space<vmem>>, vector<1x1x16xf32>,
        %get3A_274 = vector.shape_cast %get3A_273 : vector<1x1x16xf32> to vector<16xf32>
        %max3A_275 = arith.maximumf %while3A_229, %get3A_274 : vector<16xf32>
        %get3A_276 = arith.index_cast %select_n3A_243 : i32 to index
        %get3A_277 = arith.index_cast %sub3A_246 : i32 to index
        %get3A_278 = arith.constant 80 : index
        %get3A_279 = tpu.vector_load %arg5[%get3A_276, %get3A_277, %get3A_278] {strides = array<i32>} : memref<4x192x128xf32, #tpu.memory_space<vmem>>, vector<1x1x16xf32>,
        %get3A_280 = vector.shape_cast %get3A_279 : vector<1x1x16xf32> to vector<16xf32>
        %max3A_281 = arith.maximumf %while3A_230, %get3A_280 : vector<16xf32>
        %get3A_282 = arith.index_cast %select_n3A_243 : i32 to index
        %get3A_283 = arith.index_cast %sub3A_246 : i32 to index
        %get3A_284 = arith.constant 96 : index
        %get3A_285 = tpu.vector_load %arg5[%get3A_282, %get3A_283, %get3A_284] {strides = array<i32>} : memref<4x192x128xf32, #tpu.memory_space<vmem>>, vector<1x1x16xf32>,
        %get3A_286 = vector.shape_cast %get3A_285 : vector<1x1x16xf32> to vector<16xf32>
        %max3A_287 = arith.maximumf %while3A_231, %get3A_286 : vector<16xf32>
        %get3A_288 = arith.index_cast %select_n3A_243 : i32 to index
        %get3A_289 = arith.index_cast %sub3A_246 : i32 to index
        %get3A_290 = arith.constant 112 : index
        %get3A_291 = tpu.vector_load %arg5[%get3A_288, %get3A_289, %get3A_290] {strides = array<i32>} : memref<4x192x128xf32, #tpu.memory_space<vmem>>, vector<1x1x16xf32>,
        %get3A_292 = vector.shape_cast %get3A_291 : vector<1x1x16xf32> to vector<16xf32>
        %max3A_293 = arith.maximumf %while3A_232, %get3A_292 : vector<16xf32>
        scf.yield %select_n3A_243, %select_n3A_238, %max3A, %max3A_257, %max3A_263, %max3A_269, %max3A_275, %max3A_281, %max3A_287, %max3A_293 : i32, i32, vector<16xf32>, vector<16xf32>, vector<16xf32>, vector<16xf32>, vector<16xf32>, vector<16xf32>, vector<16xf32>, vector<16xf32>
      }
      %while3A_180 = arith.constant 1 : i32
      %while3A_181:10 = scf.for %while3A_222 = %while3A_177 to %while3A_173 step %while3A_180 iter_args(%while3A_223 = %while3A_179#0, %while3A_224 = %while3A_179#1, %while3A_225 = %while3A_179#2, %while3A_226 = %while3A_179#3, %while3A_227 = %while3A_179#4, %while3A_228 = %while3A_179#5, %while3A_229 = %while3A_179#6, %while3A_230 = %while3A_179#7, %while3A_231 = %while3A_179#8, %while3A_232 = %while3A_179#9) -> (i32, i32, vector<16xf32>, vector<16xf32>, vector<16xf32>, vector<16xf32>, vector<16xf32>, vector<16xf32>, vector<16xf32>, vector<16xf32>)  : i32 {
        %add3A_233 = arith.constant 192 : i32
        %add3A_234 = arith.addi %while3A_224, %add3A_233 : i32
        %ge3A = arith.cmpi sge, %while3A_222, %add3A_234 : i32
        %convert_element_type3A = arith.extui %ge3A : i1 to i32
        %cond3A = arith.constant 0 : i32
        %cond3A_235 = arith.cmpi ne, %convert_element_type3A, %cond3A : i32
        scf.if %cond3A_235 {
          %dma_wait3A_294 = arith.constant 0 : i32
          %dma_wait3A_295 = arith.constant 0 : i32
          %dma_wait3A_296 = arith.constant 0 : i32
          %dma_wait3A_297 = tpu.memref_slice %arg5[%dma_wait3A_294, %dma_wait3A_295, %dma_wait3A_296] : memref<4x192x128xf32, #tpu.memory_space<vmem>> -> memref<1x192x128xf32, #tpu.memory_space<vmem>>
          %dma_wait3A_298 = tpu.memref_squeeze %dma_wait3A_297 : memref<1x192x128xf32, #tpu.memory_space<vmem>> -> memref<192x128xf32, #tpu.memory_space<vmem>>
          %dma_wait3A_299 = arith.constant 0 : i32
          %dma_wait3A_300 = arith.constant 0 : i32
          %dma_wait3A_301 = tpu.memref_slice %arg2[%dma_wait3A_299, %dma_wait3A_300] : memref<320000x128xf32, #tpu.memory_space<hbm>> -> memref<192x128xf32, #tpu.memory_space<hbm>>
          %dma_wait3A_302 = arith.constant 0 : i32
          %dma_wait3A_303 = arith.constant 0 : i32
          %dma_wait3A_304 = tpu.memref_slice %arg5[%dma_wait3A_294, %dma_wait3A_302, %dma_wait3A_303] : memref<4x192x128xf32, #tpu.memory_space<vmem>> -> memref<1x192x128xf32, #tpu.memory_space<vmem>>
          %dma_wait3A_305 = tpu.memref_squeeze %dma_wait3A_304 : memref<1x192x128xf32, #tpu.memory_space<vmem>> -> memref<192x128xf32, #tpu.memory_space<vmem>>
          %dma_wait3A_306 = arith.constant 0 : i32
          %dma_wait3A_307 = arith.constant 0 : i32
          %dma_wait3A_308 = tpu.memref_slice %arg2[%dma_wait3A_306, %dma_wait3A_307] : memref<320000x128xf32, #tpu.memory_space<hbm>> -> memref<192x128xf32, #tpu.memory_space<hbm>>
          tpu.wait_dma2 semaphore(%arg10 : memref<!tpu.dma_semaphore, #tpu.memory_space<semaphore_mem>>) src(%dma_wait3A_308 : memref<192x128xf32, #tpu.memory_space<hbm>>) dst(%dma_wait3A_305 : memref<192x128xf32, #tpu.memory_space<vmem>>)
          %add3A_309 = arith.constant 768 : i32
          %add3A_310 = arith.addi %while3A_224, %add3A_309 : i32
          %min3A_311 = arith.constant 319808 : i32
          %min3A_312 = arith.minsi %add3A_310, %min3A_311 : i32
          %multiple_of3A_313 = tpu.assume_multiple %min3A_312, 8 : i32
          %dma_start3A_314 = arith.constant 0 : i32
          %dma_start3A_315 = arith.constant 0 : i32
          %dma_start3A_316 = tpu.memref_slice %arg5[%while3A_223, %dma_start3A_314, %dma_start3A_315] : memref<4x192x128xf32, #tpu.memory_space<vmem>> -> memref<1x192x128xf32, #tpu.memory_space<vmem>>
          %dma_start3A_317 = tpu.memref_squeeze %dma_start3A_316 : memref<1x192x128xf32, #tpu.memory_space<vmem>> -> memref<192x128xf32, #tpu.memory_space<vmem>>
          %dma_start3A_318 = arith.constant 0 : i32
          %dma_start3A_319 = tpu.memref_slice %arg2[%multiple_of3A_313, %dma_start3A_318] : memref<320000x128xf32, #tpu.memory_space<hbm>> -> memref<192x128xf32, #tpu.memory_space<hbm>>
          %dma_start3A_320 = arith.constant 0 : i32
          %dma_start3A_321 = arith.constant 0 : i32
          %dma_start3A_322 = tpu.memref_slice %arg5[%while3A_223, %dma_start3A_320, %dma_start3A_321] : memref<4x192x128xf32, #tpu.memory_space<vmem>> -> memref<1x192x128xf32, #tpu.memory_space<vmem>>
          %dma_start3A_323 = tpu.memref_squeeze %dma_start3A_322 : memref<1x192x128xf32, #tpu.memory_space<vmem>> -> memref<192x128xf32, #tpu.memory_space<vmem>>
          %dma_start3A_324 = arith.constant 0 : i32
          %dma_start3A_325 = tpu.memref_slice %arg2[%multiple_of3A_313, %dma_start3A_324] : memref<320000x128xf32, #tpu.memory_space<hbm>> -> memref<192x128xf32, #tpu.memory_space<hbm>>
          tpu.enqueue_dma source(%dma_start3A_325 : memref<192x128xf32, #tpu.memory_space<hbm>>) target(%dma_start3A_323 : memref<192x128xf32, #tpu.memory_space<vmem>>) target_semaphore(%arg10 : memref<!tpu.dma_semaphore, #tpu.memory_space<semaphore_mem>>)
        } else {
        }
        %add3A_236 = arith.constant 192 : i32
        %add3A_237 = arith.addi %while3A_224, %add3A_236 : i32
        %select_n3A_238 = arith.select %ge3A, %add3A_237, %while3A_224 : i32
        %add3A_239 = arith.constant 1 : i32
        %add3A_240 = arith.addi %while3A_223, %add3A_239 : i32
        %and3A_241 = arith.constant 3 : i32
        %and3A_242 = arith.andi %add3A_240, %and3A_241 : i32
        %select_n3A_243 = arith.select %ge3A, %and3A_242, %while3A_223 : i32
        %min3A_244 = arith.constant 319808 : i32
        %min3A_245 = arith.minsi %select_n3A_238, %min3A_244 : i32
        %sub3A_246 = arith.subi %while3A_222, %min3A_245 : i32
        %get3A_247 = arith.index_cast %select_n3A_243 : i32 to index
        %get3A_248 = arith.index_cast %sub3A_246 : i32 to index
        %get3A_249 = arith.constant 0 : index
        %get3A_250 = tpu.vector_load %arg5[%get3A_247, %get3A_248, %get3A_249] {strides = array<i32>} : memref<4x192x128xf32, #tpu.memory_space<vmem>>, vector<1x1x16xf32>,
        %get3A_251 = vector.shape_cast %get3A_250 : vector<1x1x16xf32> to vector<16xf32>
        %max3A = arith.maximumf %while3A_225, %get3A_251 : vector<16xf32>
        %get3A_252 = arith.index_cast %select_n3A_243 : i32 to index
        %get3A_253 = arith.index_cast %sub3A_246 : i32 to index
        %get3A_254 = arith.constant 16 : index
        %get3A_255 = tpu.vector_load %arg5[%get3A_252, %get3A_253, %get3A_254] {strides = array<i32>} : memref<4x192x128xf32, #tpu.memory_space<vmem>>, vector<1x1x16xf32>,
        %get3A_256 = vector.shape_cast %get3A_255 : vector<1x1x16xf32> to vector<16xf32>
        %max3A_257 = arith.maximumf %while3A_226, %get3A_256 : vector<16xf32>
        %get3A_258 = arith.index_cast %select_n3A_243 : i32 to index
        %get3A_259 = arith.index_cast %sub3A_246 : i32 to index
        %get3A_260 = arith.constant 32 : index
        %get3A_261 = tpu.vector_load %arg5[%get3A_258, %get3A_259, %get3A_260] {strides = array<i32>} : memref<4x192x128xf32, #tpu.memory_space<vmem>>, vector<1x1x16xf32>,
        %get3A_262 = vector.shape_cast %get3A_261 : vector<1x1x16xf32> to vector<16xf32>
        %max3A_263 = arith.maximumf %while3A_227, %get3A_262 : vector<16xf32>
        %get3A_264 = arith.index_cast %select_n3A_243 : i32 to index
        %get3A_265 = arith.index_cast %sub3A_246 : i32 to index
        %get3A_266 = arith.constant 48 : index
        %get3A_267 = tpu.vector_load %arg5[%get3A_264, %get3A_265, %get3A_266] {strides = array<i32>} : memref<4x192x128xf32, #tpu.memory_space<vmem>>, vector<1x1x16xf32>,
        %get3A_268 = vector.shape_cast %get3A_267 : vector<1x1x16xf32> to vector<16xf32>
        %max3A_269 = arith.maximumf %while3A_228, %get3A_268 : vector<16xf32>
        %get3A_270 = arith.index_cast %select_n3A_243 : i32 to index
        %get3A_271 = arith.index_cast %sub3A_246 : i32 to index
        %get3A_272 = arith.constant 64 : index
        %get3A_273 = tpu.vector_load %arg5[%get3A_270, %get3A_271, %get3A_272] {strides = array<i32>} : memref<4x192x128xf32, #tpu.memory_space<vmem>>, vector<1x1x16xf32>,
        %get3A_274 = vector.shape_cast %get3A_273 : vector<1x1x16xf32> to vector<16xf32>
        %max3A_275 = arith.maximumf %while3A_229, %get3A_274 : vector<16xf32>
        %get3A_276 = arith.index_cast %select_n3A_243 : i32 to index
        %get3A_277 = arith.index_cast %sub3A_246 : i32 to index
        %get3A_278 = arith.constant 80 : index
        %get3A_279 = tpu.vector_load %arg5[%get3A_276, %get3A_277, %get3A_278] {strides = array<i32>} : memref<4x192x128xf32, #tpu.memory_space<vmem>>, vector<1x1x16xf32>,
        %get3A_280 = vector.shape_cast %get3A_279 : vector<1x1x16xf32> to vector<16xf32>
        %max3A_281 = arith.maximumf %while3A_230, %get3A_280 : vector<16xf32>
        %get3A_282 = arith.index_cast %select_n3A_243 : i32 to index
        %get3A_283 = arith.index_cast %sub3A_246 : i32 to index
        %get3A_284 = arith.constant 96 : index
        %get3A_285 = tpu.vector_load %arg5[%get3A_282, %get3A_283, %get3A_284] {strides = array<i32>} : memref<4x192x128xf32, #tpu.memory_space<vmem>>, vector<1x1x16xf32>,
        %get3A_286 = vector.shape_cast %get3A_285 : vector<1x1x16xf32> to vector<16xf32>
        %max3A_287 = arith.maximumf %while3A_231, %get3A_286 : vector<16xf32>
        %get3A_288 = arith.index_cast %select_n3A_243 : i32 to index
        %get3A_289 = arith.index_cast %sub3A_246 : i32 to index
        %get3A_290 = arith.constant 112 : index
        %get3A_291 = tpu.vector_load %arg5[%get3A_288, %get3A_289, %get3A_290] {strides = array<i32>} : memref<4x192x128xf32, #tpu.memory_space<vmem>>, vector<1x1x16xf32>,
        %get3A_292 = vector.shape_cast %get3A_291 : vector<1x1x16xf32> to vector<16xf32>
        %max3A_293 = arith.maximumf %while3A_232, %get3A_292 : vector<16xf32>
        scf.yield %select_n3A_243, %select_n3A_238, %max3A, %max3A_257, %max3A_263, %max3A_269, %max3A_275, %max3A_281, %max3A_287, %max3A_293 : i32, i32, vector<16xf32>, vector<16xf32>, vector<16xf32>, vector<16xf32>, vector<16xf32>, vector<16xf32>, vector<16xf32>, vector<16xf32>
      }
      %swap3A_182 = arith.index_cast %scan3A_164 : i32 to index
      %swap3A_183 = arith.constant 0 : index
      %swap3A_184 = tpu.vector_load %arg9[%swap3A_182, %swap3A_183] {strides = array<i32>} : memref<32x128xf32, #tpu.memory_space<vmem>>, vector<1x16xf32>,
      %swap3A_185 = vector.shape_cast %swap3A_184 : vector<1x16xf32> to vector<16xf32>
      %swap3A_186 = vector.shape_cast %while3A_181#2 : vector<16xf32> to vector<1x16xf32>
      tpu.vector_store %arg9[%swap3A_182, %swap3A_183], %swap3A_186 {strides = array<i32>} : memref<32x128xf32, #tpu.memory_space<vmem>>, vector<1x16xf32>,
      %swap3A_187 = arith.index_cast %scan3A_164 : i32 to index
      %swap3A_188 = arith.constant 16 : index
      %swap3A_189 = tpu.vector_load %arg9[%swap3A_187, %swap3A_188] {strides = array<i32>} : memref<32x128xf32, #tpu.memory_space<vmem>>, vector<1x16xf32>,
      %swap3A_190 = vector.shape_cast %swap3A_189 : vector<1x16xf32> to vector<16xf32>
      %swap3A_191 = vector.shape_cast %while3A_181#3 : vector<16xf32> to vector<1x16xf32>
      tpu.vector_store %arg9[%swap3A_187, %swap3A_188], %swap3A_191 {strides = array<i32>} : memref<32x128xf32, #tpu.memory_space<vmem>>, vector<1x16xf32>,
      %swap3A_192 = arith.index_cast %scan3A_164 : i32 to index
      %swap3A_193 = arith.constant 32 : index
      %swap3A_194 = tpu.vector_load %arg9[%swap3A_192, %swap3A_193] {strides = array<i32>} : memref<32x128xf32, #tpu.memory_space<vmem>>, vector<1x16xf32>,
      %swap3A_195 = vector.shape_cast %swap3A_194 : vector<1x16xf32> to vector<16xf32>
      %swap3A_196 = vector.shape_cast %while3A_181#4 : vector<16xf32> to vector<1x16xf32>
      tpu.vector_store %arg9[%swap3A_192, %swap3A_193], %swap3A_196 {strides = array<i32>} : memref<32x128xf32, #tpu.memory_space<vmem>>, vector<1x16xf32>,
      %swap3A_197 = arith.index_cast %scan3A_164 : i32 to index
      %swap3A_198 = arith.constant 48 : index
      %swap3A_199 = tpu.vector_load %arg9[%swap3A_197, %swap3A_198] {strides = array<i32>} : memref<32x128xf32, #tpu.memory_space<vmem>>, vector<1x16xf32>,
      %swap3A_200 = vector.shape_cast %swap3A_199 : vector<1x16xf32> to vector<16xf32>
      %swap3A_201 = vector.shape_cast %while3A_181#5 : vector<16xf32> to vector<1x16xf32>
      tpu.vector_store %arg9[%swap3A_197, %swap3A_198], %swap3A_201 {strides = array<i32>} : memref<32x128xf32, #tpu.memory_space<vmem>>, vector<1x16xf32>,
      %swap3A_202 = arith.index_cast %scan3A_164 : i32 to index
      %swap3A_203 = arith.constant 64 : index
      %swap3A_204 = tpu.vector_load %arg9[%swap3A_202, %swap3A_203] {strides = array<i32>} : memref<32x128xf32, #tpu.memory_space<vmem>>, vector<1x16xf32>,
      %swap3A_205 = vector.shape_cast %swap3A_204 : vector<1x16xf32> to vector<16xf32>
      %swap3A_206 = vector.shape_cast %while3A_181#6 : vector<16xf32> to vector<1x16xf32>
      tpu.vector_store %arg9[%swap3A_202, %swap3A_203], %swap3A_206 {strides = array<i32>} : memref<32x128xf32, #tpu.memory_space<vmem>>, vector<1x16xf32>,
      %swap3A_207 = arith.index_cast %scan3A_164 : i32 to index
      %swap3A_208 = arith.constant 80 : index
      %swap3A_209 = tpu.vector_load %arg9[%swap3A_207, %swap3A_208] {strides = array<i32>} : memref<32x128xf32, #tpu.memory_space<vmem>>, vector<1x16xf32>,
      %swap3A_210 = vector.shape_cast %swap3A_209 : vector<1x16xf32> to vector<16xf32>
      %swap3A_211 = vector.shape_cast %while3A_181#7 : vector<16xf32> to vector<1x16xf32>
      tpu.vector_store %arg9[%swap3A_207, %swap3A_208], %swap3A_211 {strides = array<i32>} : memref<32x128xf32, #tpu.memory_space<vmem>>, vector<1x16xf32>,
      %swap3A_212 = arith.index_cast %scan3A_164 : i32 to index
      %swap3A_213 = arith.constant 96 : index
      %swap3A_214 = tpu.vector_load %arg9[%swap3A_212, %swap3A_213] {strides = array<i32>} : memref<32x128xf32, #tpu.memory_space<vmem>>, vector<1x16xf32>,
      %swap3A_215 = vector.shape_cast %swap3A_214 : vector<1x16xf32> to vector<16xf32>
      %swap3A_216 = vector.shape_cast %while3A_181#8 : vector<16xf32> to vector<1x16xf32>
      tpu.vector_store %arg9[%swap3A_212, %swap3A_213], %swap3A_216 {strides = array<i32>} : memref<32x128xf32, #tpu.memory_space<vmem>>, vector<1x16xf32>,
      %swap3A_217 = arith.index_cast %scan3A_164 : i32 to index
      %swap3A_218 = arith.constant 112 : index
      %swap3A_219 = tpu.vector_load %arg9[%swap3A_217, %swap3A_218] {strides = array<i32>} : memref<32x128xf32, #tpu.memory_space<vmem>>, vector<1x16xf32>,
      %swap3A_220 = vector.shape_cast %swap3A_219 : vector<1x16xf32> to vector<16xf32>
      %swap3A_221 = vector.shape_cast %while3A_181#9 : vector<16xf32> to vector<1x16xf32>
      tpu.vector_store %arg9[%swap3A_217, %swap3A_218], %swap3A_221 {strides = array<i32>} : memref<32x128xf32, #tpu.memory_space<vmem>>, vector<1x16xf32>,
      scf.yield %while3A_181#0, %while3A_181#1 : i32, i32
    }
    %scan3A_119 = arith.constant 32 : i32
    %dma_wait3A = arith.constant 1 : i32
    %dma_wait3A_120 = arith.constant 0 : i32
    %dma_wait3A_121 = arith.constant 0 : i32
    %dma_wait3A_122 = tpu.memref_slice %arg5[%dma_wait3A, %dma_wait3A_120, %dma_wait3A_121] : memref<4x192x128xf32, #tpu.memory_space<vmem>> -> memref<1x192x128xf32, #tpu.memory_space<vmem>>
    %dma_wait3A_123 = tpu.memref_squeeze %dma_wait3A_122 : memref<1x192x128xf32, #tpu.memory_space<vmem>> -> memref<192x128xf32, #tpu.memory_space<vmem>>
    %dma_wait3A_124 = arith.constant 0 : i32
    %dma_wait3A_125 = arith.constant 0 : i32
    %dma_wait3A_126 = tpu.memref_slice %arg2[%dma_wait3A_124, %dma_wait3A_125] : memref<320000x128xf32, #tpu.memory_space<hbm>> -> memref<192x128xf32, #tpu.memory_space<hbm>>
    %dma_wait3A_127 = arith.constant 0 : i32
    %dma_wait3A_128 = arith.constant 0 : i32
    %dma_wait3A_129 = tpu.memref_slice %arg5[%dma_wait3A, %dma_wait3A_127, %dma_wait3A_128] : memref<4x192x128xf32, #tpu.memory_space<vmem>> -> memref<1x192x128xf32, #tpu.memory_space<vmem>>
    %dma_wait3A_130 = tpu.memref_squeeze %dma_wait3A_129 : memref<1x192x128xf32, #tpu.memory_space<vmem>> -> memref<192x128xf32, #tpu.memory_space<vmem>>
    %dma_wait3A_131 = arith.constant 0 : i32
    %dma_wait3A_132 = arith.constant 0 : i32
    %dma_wait3A_133 = tpu.memref_slice %arg2[%dma_wait3A_131, %dma_wait3A_132] : memref<320000x128xf32, #tpu.memory_space<hbm>> -> memref<192x128xf32, #tpu.memory_space<hbm>>
    tpu.wait_dma2 semaphore(%arg10 : memref<!tpu.dma_semaphore, #tpu.memory_space<semaphore_mem>>) src(%dma_wait3A_133 : memref<192x128xf32, #tpu.memory_space<hbm>>) dst(%dma_wait3A_130 : memref<192x128xf32, #tpu.memory_space<vmem>>)
    %dma_wait3A_134 = arith.constant 2 : i32
    %dma_wait3A_135 = arith.constant 0 : i32
    %dma_wait3A_136 = arith.constant 0 : i32
    %dma_wait3A_137 = tpu.memref_slice %arg5[%dma_wait3A_134, %dma_wait3A_135, %dma_wait3A_136] : memref<4x192x128xf32, #tpu.memory_space<vmem>> -> memref<1x192x128xf32, #tpu.memory_space<vmem>>
    %dma_wait3A_138 = tpu.memref_squeeze %dma_wait3A_137 : memref<1x192x128xf32, #tpu.memory_space<vmem>> -> memref<192x128xf32, #tpu.memory_space<vmem>>
    %dma_wait3A_139 = arith.constant 0 : i32
    %dma_wait3A_140 = arith.constant 0 : i32
    %dma_wait3A_141 = tpu.memref_slice %arg2[%dma_wait3A_139, %dma_wait3A_140] : memref<320000x128xf32, #tpu.memory_space<hbm>> -> memref<192x128xf32, #tpu.memory_space<hbm>>
    %dma_wait3A_142 = arith.constant 0 : i32
    %dma_wait3A_143 = arith.constant 0 : i32
    %dma_wait3A_144 = tpu.memref_slice %arg5[%dma_wait3A_134, %dma_wait3A_142, %dma_wait3A_143] : memref<4x192x128xf32, #tpu.memory_space<vmem>> -> memref<1x192x128xf32, #tpu.memory_space<vmem>>
    %dma_wait3A_145 = tpu.memref_squeeze %dma_wait3A_144 : memref<1x192x128xf32, #tpu.memory_space<vmem>> -> memref<192x128xf32, #tpu.memory_space<vmem>>
    %dma_wait3A_146 = arith.constant 0 : i32
    %dma_wait3A_147 = arith.constant 0 : i32
    %dma_wait3A_148 = tpu.memref_slice %arg2[%dma_wait3A_146, %dma_wait3A_147] : memref<320000x128xf32, #tpu.memory_space<hbm>> -> memref<192x128xf32, #tpu.memory_space<hbm>>
    tpu.wait_dma2 semaphore(%arg10 : memref<!tpu.dma_semaphore, #tpu.memory_space<semaphore_mem>>) src(%dma_wait3A_148 : memref<192x128xf32, #tpu.memory_space<hbm>>) dst(%dma_wait3A_145 : memref<192x128xf32, #tpu.memory_space<vmem>>)
    %dma_wait3A_149 = arith.constant 3 : i32
    %dma_wait3A_150 = arith.constant 0 : i32
    %dma_wait3A_151 = arith.constant 0 : i32
    %dma_wait3A_152 = tpu.memref_slice %arg5[%dma_wait3A_149, %dma_wait3A_150, %dma_wait3A_151] : memref<4x192x128xf32, #tpu.memory_space<vmem>> -> memref<1x192x128xf32, #tpu.memory_space<vmem>>
    %dma_wait3A_153 = tpu.memref_squeeze %dma_wait3A_152 : memref<1x192x128xf32, #tpu.memory_space<vmem>> -> memref<192x128xf32, #tpu.memory_space<vmem>>
    %dma_wait3A_154 = arith.constant 0 : i32
    %dma_wait3A_155 = arith.constant 0 : i32
    %dma_wait3A_156 = tpu.memref_slice %arg2[%dma_wait3A_154, %dma_wait3A_155] : memref<320000x128xf32, #tpu.memory_space<hbm>> -> memref<192x128xf32, #tpu.memory_space<hbm>>
    %dma_wait3A_157 = arith.constant 0 : i32
    %dma_wait3A_158 = arith.constant 0 : i32
    %dma_wait3A_159 = tpu.memref_slice %arg5[%dma_wait3A_149, %dma_wait3A_157, %dma_wait3A_158] : memref<4x192x128xf32, #tpu.memory_space<vmem>> -> memref<1x192x128xf32, #tpu.memory_space<vmem>>
    %dma_wait3A_160 = tpu.memref_squeeze %dma_wait3A_159 : memref<1x192x128xf32, #tpu.memory_space<vmem>> -> memref<192x128xf32, #tpu.memory_space<vmem>>
    %dma_wait3A_161 = arith.constant 0 : i32
    %dma_wait3A_162 = arith.constant 0 : i32
    %dma_wait3A_163 = tpu.memref_slice %arg2[%dma_wait3A_161, %dma_wait3A_162] : memref<320000x128xf32, #tpu.memory_space<hbm>> -> memref<192x128xf32, #tpu.memory_space<hbm>>
    tpu.wait_dma2 semaphore(%arg10 : memref<!tpu.dma_semaphore, #tpu.memory_space<semaphore_mem>>) src(%dma_wait3A_163 : memref<192x128xf32, #tpu.memory_space<hbm>>) dst(%dma_wait3A_160 : memref<192x128xf32, #tpu.memory_space<vmem>>)
    "tpu.region"() ({
      %run_scoped3A_164 = tpu.sem_alloc : memref<!tpu.dma_semaphore, #tpu.memory_space<semaphore_mem>>
      %dma_start3A_165 = arith.constant 0 : i32
      %dma_start3A_166 = tpu.memref_slice %arg4[%multiple_of3A, %dma_start3A_165] : memref<1024x128xf32, #tpu.memory_space<hbm>> -> memref<32x128xf32, #tpu.memory_space<hbm>>
      %dma_start3A_167 = arith.constant 0 : i32
      %dma_start3A_168 = tpu.memref_slice %arg4[%multiple_of3A, %dma_start3A_167] : memref<1024x128xf32, #tpu.memory_space<hbm>> -> memref<32x128xf32, #tpu.memory_space<hbm>>
      tpu.enqueue_dma source(%arg9 : memref<32x128xf32, #tpu.memory_space<vmem>>) target(%dma_start3A_168 : memref<32x128xf32, #tpu.memory_space<hbm>>) target_semaphore(%run_scoped3A_164 : memref<!tpu.dma_semaphore, #tpu.memory_space<semaphore_mem>>)
      %dma_wait3A_169 = arith.constant 0 : i32
      %dma_wait3A_170 = tpu.memref_slice %arg4[%multiple_of3A, %dma_wait3A_169] : memref<1024x128xf32, #tpu.memory_space<hbm>> -> memref<32x128xf32, #tpu.memory_space<hbm>>
      %dma_wait3A_171 = arith.constant 0 : i32
      %dma_wait3A_172 = tpu.memref_slice %arg4[%multiple_of3A, %dma_wait3A_171] : memref<1024x128xf32, #tpu.memory_space<hbm>> -> memref<32x128xf32, #tpu.memory_space<hbm>>
      tpu.wait_dma2 semaphore(%run_scoped3A_164 : memref<!tpu.dma_semaphore, #tpu.memory_space<semaphore_mem>>) src(%arg9 : memref<32x128xf32, #tpu.memory_space<vmem>>) dst(%dma_wait3A_172 : memref<32x128xf32, #tpu.memory_space<hbm>>)
      tpu.yield
    }) : () -> ()
    return
  }
}

module attributes {stable_mosaic.version = 14 : i64} {
  func.func @_fc_body(%arg0: memref<1024x128xf32, #tpu.memory_space<vmem>>, %arg1: memref<128x256xf32, #tpu.memory_space<vmem>>, %arg2: memref<1x256xf32, #tpu.memory_space<vmem>>, %arg3: memref<256x128xf32, #tpu.memory_space<vmem>>, %arg4: memref<1x128xf32, #tpu.memory_space<vmem>>, %arg5: memref<1024x128xf32, #tpu.memory_space<vmem>>) attributes {dimension_semantics = [], scalar_prefetch = 0 : i64, scratch_operands = 0 : i64, tpu.core_type = #tpu.core_type<tc>} {
    %get3A = arith.constant 0 : index
    %get3A_0 = arith.constant 0 : index
    %get3A_1 = vector.load %arg0[%get3A, %get3A_0] : memref<1024x128xf32, #tpu.memory_space<vmem>>, vector<1024x128xf32>
    %get3A_2 = arith.constant 0 : index
    %get3A_3 = arith.constant 0 : index
    %get3A_4 = vector.load %arg1[%get3A_2, %get3A_3] : memref<128x256xf32, #tpu.memory_space<vmem>>, vector<128x256xf32>
    %dot_general3A = arith.constant dense<0.000000e+00> : vector<1024x256xf32>
    %dot_general3A_5 = tpu.matmul %get3A_1, %get3A_4, %dot_general3A {dimension_numbers = #tpu.dot_dimension_numbers<[1], [0], [0], [1], [0, 0, 1, 1], [], []>, transpose_lhs_hint = false} : vector<1024x128xf32>, vector<128x256xf32>, vector<1024x256xf32> -> vector<1024x256xf32>
    %get3A_6 = arith.constant 0 : index
    %get3A_7 = arith.constant 0 : index
    %get3A_8 = vector.load %arg2[%get3A_6, %get3A_7] : memref<1x256xf32, #tpu.memory_space<vmem>>, vector<1x256xf32>
    %add3A = vector.broadcast %get3A_8 : vector<1x256xf32> to vector<1024x256xf32>
    %add3A_9 = arith.addf %dot_general3A_5, %add3A : vector<1024x256xf32>
    %get3A_10 = arith.constant 0 : index
    %get3A_11 = arith.constant 0 : index
    %get3A_12 = vector.load %arg3[%get3A_10, %get3A_11] : memref<256x128xf32, #tpu.memory_space<vmem>>, vector<256x128xf32>
    %dot_general3A_13 = arith.constant dense<0.000000e+00> : vector<1024x128xf32>
    %dot_general3A_14 = tpu.matmul %add3A_9, %get3A_12, %dot_general3A_13 {dimension_numbers = #tpu.dot_dimension_numbers<[1], [0], [0], [1], [0, 0, 1, 1], [], []>, transpose_lhs_hint = false} : vector<1024x256xf32>, vector<256x128xf32>, vector<1024x128xf32> -> vector<1024x128xf32>
    %get3A_15 = arith.constant 0 : index
    %get3A_16 = arith.constant 0 : index
    %get3A_17 = vector.load %arg4[%get3A_15, %get3A_16] : memref<1x128xf32, #tpu.memory_space<vmem>>, vector<1x128xf32>
    %add3A_18 = vector.broadcast %get3A_17 : vector<1x128xf32> to vector<1024x128xf32>
    %add3A_19 = arith.addf %dot_general3A_14, %add3A_18 : vector<1024x128xf32>
    %swap3A = arith.constant 0 : index
    %swap3A_20 = arith.constant 0 : index
    %swap3A_21 = vector.load %arg5[%swap3A, %swap3A_20] : memref<1024x128xf32, #tpu.memory_space<vmem>>, vector<1024x128xf32>
    tpu.vector_store %arg5[%swap3A, %swap3A_20], %add3A_19 {strides = array<i32>} : memref<1024x128xf32, #tpu.memory_space<vmem>>, vector<1024x128xf32>,
    return
  }
}

</mosaic_0001>

<sc_bundles>
// kernel: kernel.4.cloned.1.call-start
scs
__scs_entry_jumppad:
0x0: {  	(pc) =	sbr.rel $0x88, $3  }
0x1: {  	(tag) =	ssettag $0x0;
	lr =	simm.s32 $0x1  }
0x2: {  	[smem:$0x3F9B] =	sst lr;
	_ =	strace $0xD0000000  }
0x3: {  	_ = 	snop  }
0x4: {  	_ = 	snop  }
0x5: {  	_ = 	snop  }
0x6: {  	_ = 	snop  }
0x7: {  	_ = 	snop  }
__scs_overlays_trampoline_lowered:
0x8: {  	[smem:$0x3FAA] =	sst s0  }
0x9: {  	[smem:$0x3FAB] =	sst s1  }
0xa: {  	[smem:$0x3FAC] =	sst s2  }
0xb: {  	[smem:$0x3FAD] =	sst s3  }
0xc: {  	[smem:$0x3FAE] =	sst s4  }
0xd: {  	[smem:$0x3FAF] =	sst s5  }
0xe: {  	[smem:$0x3FB0] =	sst s6  }
0xf: {  	[smem:$0x3FB1] =	sst s7  }
0x10: {  	[smem:$0x3FB2] =	sst s8  }
0x11: {  	[smem:$0x3FB3] =	sst s9;
	s0 =	simm.s32 @!p0 $0x0  }
0x12: {  	s1 =	sld [smem:$0x3F99];
	s0 =	simm.s32 @p0 $0x1  }
0x13: {  	[smem:$0x3FB4] =	sst s0;
	s0 =	simm.s32 @!p1 $0x0  }
0x14: {  	s2 =	sld [smem:$0x3F98];
	s0 =	simm.s32 @p1 $0x1  }
0x15: {  	[smem:$0x3FB5] =	sst s0;
	s0 =	simm.s32 @!p2 $0x0  }
0x16: {  	s3 =	sld [smem:$0x3FDB];
	s0 =	simm.s32 @p2 $0x1  }
0x17: {  	s4 =	simm.s32 $0x1BF5;
	[smem:$0x3FB7] =	sst s0  }
0x18: {  	s0 =	sld [smem:$0x3F9A];
	_ =	swait.ge [sflag:s4], $0x0  }
0x19: {  	s7 =	sld [smem:$0x3F9B]  }
0x1a: {  	s8 =	sadd.s32 $0xFFFFE003, lr  }
0x1b: {  	s9 =	sadd.s32 $0xFFFFFEF7, lr;
	s5 =	simm.s32 $0xFFFFFFFF;
	p2 =	slt.u32 s8, $0xFFFFF086  }
0x1c: {  	p1 =	slt.u32 s9, $0xF7A;
	s5 =	simm.s32 @!p2 $0x0  }
0x1d: {  	s5 =	simm.s32 @p1 $0x1;
	p0 =	seq.s32 s7, s2  }
0x1e: {  	s7 =	smul.u32 @!p0 $0xF7A, s2;
	p2 =	seq.s32 @!p0 s5, $0x0  }
0x1f: {  	s9 =	smul.u32 $0xF7A, s1;
	s8 =	simm.s32 @!p0 $0x1BF5;
	p2 =	por !p2, p0  }
0x20: {  	[sflag:s8] =	ssyncset.s32 @!p0 $0xFFFFF086;
	s6 =	sadd.s32 @!p0 s3, s7;
	s7 =	simm.s32 @!p0 $0x108  }
0x21: {  	s3 =	sadd.s32 s3, s9;
	s6 =	sadd.s32 @!p0 $0x88, s6;
	s7 =	simm.s32 @p2 $0x1082  }
0x22: {  	[simem:s7], [sflag:s8] =	dma.local @!p0 [hbm:s6], $0xF7A  }
0x23: {  	s9 =	sor.u32 $0xD0000000, s2;
	s6 =	simm.s32 $0x108;
	_ =	swait.ge @!p0 [sflag:s8], $0x0  }
0x24: {  	s3 =	sadd.s32 $0x88, s3;
	s6 =	simm.s32 @!p1 $0x1082;
	[sflag:s4] =	ssyncset.s32 $0xFFFFF086  }
0x25: {  	[simem:s6], [sflag:s4] =	dma.local [hbm:s3], $0xF7A  }
0x26: {  	[smem:$0x3F9B] =	sst s1;
	(tag) =	ssettag s2;
	_ =	strace s9  }
0x27: {  	s1 =	sld [smem:$0x3FAB]  }
0x28: {  	s2 =	sld [smem:$0x3FAC]  }
0x29: {  	s4 =	sld [smem:$0x3FAE]  }
0x2a: {  	p0 =	seq.s32 s5, $0x0;
	s5 =	sld [smem:$0x3FAF]  }
0x2b: {  	s6 =	sld [smem:$0x3FB0]  }
0x2c: {  	s7 =	sld [smem:$0x3FB1]  }
0x2d: {  	s3 =	simm.s32 $0x108;
	s8 =	sld [smem:$0x3FB2]  }
0x2e: {  	s3 =	simm.s32 @!p0 $0x1082;
	s9 =	sld [smem:$0x3FB3]  }
0x2f: {  	lr =	sadd.s32 s0, s3;
	s0 =	sld [smem:$0x3FAA]  }
0x30: {  	s3 =	sld [smem:$0x3FAD]  }
0x31: {  	[smem:$0x3FB6] =	sst s10  }
0x32: {  	s10 =	sld [smem:$0x3FB4];
	_ =	sdelay $0x3  }
0x33: {  	p0 =	seq.s32 s10, $0x1;
	s10 =	sld [smem:$0x3FB6];
	_ =	sdelay $0x3  }
0x34: {  	[smem:$0x3FB6] =	sst s10  }
0x35: {  	s10 =	sld [smem:$0x3FB5];
	_ =	sdelay $0x3  }
0x36: {  	p1 =	seq.s32 s10, $0x1;
	s10 =	sld [smem:$0x3FB6];
	_ =	sdelay $0x3  }
0x37: {  	[smem:$0x3FB6] =	sst s10  }
0x38: {  	s10 =	sld [smem:$0x3FB7]  }
0x39: {  	_ = 	snop;
	(pc) =	sbr.ind lr, $3  }
0x3a: {  	_ = 	snop  }
0x3b: {  	_ = 	snop  }
0x3c: {  	p2 =	seq.s32 s10, $0x1;
	s10 =	sld [smem:$0x3FB6]  }
0x3d: {  	_ =	shalt  }
0x3e: {  	_ =	shalt  }
0x3f: {  	_ =	shalt  }
0x40: {  	_ =	shalt  }
0x41: {  	_ =	shalt  }
0x42: {  	_ =	shalt  }
0x43: {  	_ =	shalt  }
0x44: {  	_ =	shalt  }
0x45: {  	_ =	shalt  }
0x46: {  	_ =	shalt  }
0x47: {  	_ =	shalt  }
0x48: {  	_ =	shalt  }
0x49: {  	_ =	shalt  }
0x4a: {  	_ =	shalt  }
0x4b: {  	_ =	shalt  }
0x4c: {  	_ =	shalt  }
0x4d: {  	_ =	shalt  }
0x4e: {  	_ =	shalt  }
0x4f: {  	_ =	shalt  }
0x50: {  	_ =	shalt  }
0x51: {  	_ =	shalt  }
0x52: {  	_ =	shalt  }
0x53: {  	_ =	shalt  }
0x54: {  	_ =	shalt  }
0x55: {  	_ =	shalt  }
0x56: {  	_ =	shalt  }
0x57: {  	_ =	shalt  }
0x58: {  	_ =	shalt  }
0x59: {  	_ =	shalt  }
0x5a: {  	_ =	shalt  }
0x5b: {  	_ =	shalt  }
0x5c: {  	_ =	shalt  }
0x5d: {  	_ =	shalt  }
0x5e: {  	_ =	shalt  }
0x5f: {  	_ =	shalt  }
0x60: {  	_ =	shalt  }
0x61: {  	_ =	shalt  }
0x62: {  	_ =	shalt  }
0x63: {  	_ =	shalt  }
0x64: {  	_ =	shalt  }
0x65: {  	_ =	shalt  }
0x66: {  	_ =	shalt  }
0x67: {  	_ =	shalt  }
0x68: {  	_ =	shalt  }
0x69: {  	_ =	shalt  }
0x6a: {  	_ =	shalt  }
0x6b: {  	_ =	shalt  }
0x6c: {  	_ =	shalt  }
0x6d: {  	_ =	shalt  }
0x6e: {  	_ =	shalt  }
0x6f: {  	_ =	shalt  }
0x70: {  	_ =	shalt  }
0x71: {  	_ =	shalt  }
0x72: {  	_ =	shalt  }
0x73: {  	_ =	shalt  }
0x74: {  	_ =	shalt  }
0x75: {  	_ =	shalt  }
0x76: {  	_ =	shalt  }
0x77: {  	_ =	shalt  }
0x78: {  	_ =	shalt  }
0x79: {  	_ =	shalt  }
0x7a: {  	_ =	shalt  }
0x7b: {  	_ =	shalt  }
0x7c: {  	_ =	shalt  }
0x7d: {  	_ =	shalt  }
0x7e: {  	_ =	shalt  }
0x7f: {  	_ =	shalt  }
0x80: {  	_ =	shalt  }
0x81: {  	_ =	shalt  }
0x82: {  	_ =	shalt  }
0x83: {  	_ =	shalt  }
0x84: {  	_ =	shalt  }
0x85: {  	_ =	shalt  }
0x86: {  	_ =	shalt  }
0x87: {  	_ =	shalt  }
.Lfunc_end0:
.L_simem_size_0:
called_computation_lowered:
.L_overlay_start_0:
0x88: {  	s2 =	sld [smem:$0x3FD9]  }
0x89: {  	s3 =	sld [smem:$0x3FFE];
	_ =	sdelay $0x1  }
0x8a: {  	s1 =	srdreg.scid  }
0x8b: {  	s0 =	sand.u32 $0x1, s1  }
0x8c: {  	s15 =	sshll.u32 s0, $0xA;
	s2 =	sadd.s32 s3, s2  }
0x8d: {  	s2 =	sadd.s32 s2, s15  }
0x8e: {  	[smem:$0x3FC2] =	sst s2  }
0x8f: {  	_ = 	snop  }
0x90: {  	s2 =	sld [smem:$0x3FD0];
	_ =	sdelay $0x1  }
0x91: {  	s16 =	sld [smem:$0x3FC9]  }
0x92: {  	s5 =	simm.s32 $0xA;
	s6 =	simm.s32 $0x10;
	s4 =	sld [smem:$0x3FC8]  }
0x93: {  	[smem:s6], [sflag:s5] =	dma.local [hbm:s2], $0x1  }
0x94: {  	_ =	swait.eq [sflag:s5], $0x1  }
0x95: {  	[sflag:s5] =	ssyncset.done $0x0  }
0x96: {  	[sflag:s5] =	ssyncadd.s32 $0xFFFFFFFF  }
0x97: {  	s17 =	sld [smem:$0x11];
	(tm) =	ssettm $0x1  }
0x98: {  	s18 =	sld [smem:$0x3FFB];
	_ =	sdelay $0x3  }
0x99: {  	_ =	strace s18  }
0x9a: {  	s5 =	sld [smem:$0x3FFC];
	_ =	sdelay $0x3  }
0x9b: {  	_ =	strace s5  }
0x9c: {  	s5 =	sld [smem:$0x3FFD];
	_ =	sdelay $0x3  }
0x9d: {  	_ =	strace s5  }
0x9e: {  	_ =	strace $0x8FFFFFFF  }
0x9f: {  	s19 =	sld [smem:$0x3FDB];
	_ =	sdelay $0x1  }
0xa0: {  	s20 =	simm.s32 $_scs_section_size  }
0xa1: {  	s7 =	simm.s32 $_size__tile_overlayer_lowered;
	s8 =	simm.s32 $_tile_overlayer_lowered  }
0xa2: {  	s23 =	simm.s32 $0x1BFF;
	s22 =	sshll.u32 s8, $0x1;
	s5 =	sadd.s32 s20, s19  }
0xa3: {  	s9 =	simm.s32 $0x0;
	s21 =	sshll.u32 s7, $0x1;
	s7 =	sadd.s32 s22, s5  }
0xa4: {  	[timem:s9], [sflag:s23] =	dma.local [hbm:s7], s21  }
0xa5: {  	_ =	swait.ge [sflag:s23], s21  }
0xa6: {  	s6 =	ssub.s32 $0x0, s21;
	[sflag:s23] =	ssyncset.done $0x0  }
0xa7: {  	[sflag:s23] =	ssyncadd.s32 s6;
	_ =	sdelay $0x1  }
0xa8: {  	s24 =	simm.s32 $0x1B8B  }
0xa9: {  	_ =	swait.ge [sflag:s24], $0x1  }
0xaa: {  	[sflag:s24] =	ssyncset.done $0x0  }
0xab: {  	s25 =	simm.s32 $0x1B8E;
	[sflag:s24] =	ssyncadd.s32 $0xFFFFFFFF  }
0xac: {  	s26 =	simm.s32 $execute0_lowered;
	[smem:$0x3FD2] =	sst s25  }
0xad: {  	s6 =	sshll.u32 s26, $0x1;
	_ =	strace $0x80000046;
	[dreg:$0x1] =	wrdreg $0xFFFFFFFF  }
0xae: {  	s28 =	simm.s32 $_size_execute0_lowered;
	s5 =	sadd.s32 s5, s6;
	[dreg:$0x0] =	wrdreg $0x0  }
0xaf: {  	s6 =	sshll.u32 s28, $0x1;
	[dreg:$0x2] =	wrdreg s5  }
0xb0: {  	[dreg:$0x3] =	wrdreg s6  }
0xb1: {  	[dreg:$0x4] =	wrdreg $0xC0  }
0xb2: {  	_ =	task [dreg:s9], $0x5FFFF  }
0xb3: {  	[dreg:$0x1] =	wrdreg $0xFFFFFFFF  }
0xb4: {  	[dreg:$0x0] =	wrdreg $0x60  }
0xb5: {  	[dreg:$0x2] =	wrdreg s16  }
0xb6: {  	[dreg:$0x3] =	wrdreg s4  }
0xb7: {  	[dreg:$0x4] =	wrdreg s17  }
0xb8: {  	[dreg:$0x5] =	wrdreg $0x9  }
0xb9: {  	_ =	task.clear_ibuf [dreg:s9], $0x6FFFF;
	_ =	strace $0x90000046  }
0xba: {  	s29 =	simm.s32 $0x9;
	_ =	strace $0x80000048  }
0xbb: {  	_ =	swait.ge [sflag:s29], $0x1  }
0xbc: {  	[sflag:s29] =	ssyncadd.s32 $0xFFFFFFFF  }
0xbd: {  	_ =	strace $0x90000048  }
0xbe: {  	_ =	sfence  }
0xbf: {  	s30 =	sld [smem:$0x0];
	_ =	sdelay $0x2  }
0xc0: {  	s31 =	sshll.u32 s1, $0xD;
	s1 =	sshrl.u32 s1, $0x2  }
0xc1: {  	s3 =	sand.u32 $0x4000, s31;
	s1 =	sadd.s32 s1, s30  }
0xc2: {  	s0 =	sor.u32 s3, s0;
	s1 =	sshll.u32 s1, $0x11  }
0xc3: {  	s0 =	sor.u32 s1, s0  }
0xc4: {  	s0 =	sadd.s32 $0x8F2B, s0  }
0xc5: {  	[sflag:s0] =	ssyncadd.remote.s32 $0x1  }
0xc6: {  	_ =	sfence.sel $0xFFFF  }
0xc7: {  	[dreg:$0x0] =	wrdreg $0xFFFFFFFF;
	(pc) =	sbr.abs _section_cstart, $3  }
0xc8: {  	[dreg:$0x1] =	wrdreg $0xFFFFFFFF  }
0xc9: {  	_ =	task.clear_ibuf [dreg:s9], $0x2FFFF;
	_ =	strace $0x9FFFFFFF  }
0xca: {  	(tm) =	ssettm $0x7FFFFFFF  }
0xcb: {  	_ =	shalt  }
tec
execute0_lowered:
.L_overlay_start_1:
0x0: {  	(tag) =	ssettag $0x1  }
0x1: {  	s1 =	rddreg [dreg:$0x0]  }
0x2: {  	s2 =	rddreg [dreg:$0x1]  }
0x3: {  	s0 =	rddreg [dreg:$0x2]  }
0x4: {  	s3 =	srdreg.scid;
	s4 =	simm.s32 $0x0;
	s6 =	stileid.u32  }
0x5: {  	s8 =	simm.s32 $0x18080;
	s9 =	simm.s32 $0x18180;
	s10 =	simm.s32 $0x2  }
0x6: {  	s11 =	simm.s32 $0x1;
	s12 =	simm.s32 $0x3;
	s16 =	simm.s32 $0x18280  }
0x7: {  	s17 =	simm.s32 $0x0;
	s3 =	sand.u32 $0x1, s3;
	s6 =	sshll.u32 s6, $0x5  }
.Ltmp0:
0x8: {  	s5 =	ssub.s32 $0x2, s3;
	s3 =	sshll.u32 s3, $0x9;
	(pc) =	sbr.rel .LBB2_1-.Ltmp0, $4  }
0x9: {  	[smem:$0x7FF] =	sst s4;
	s7 =	sshrl.u32 s5, $0x1;
	s3 =	sor.u32 s6, s3  }
0xa: {  	_ =	strace $0x80000047;
	s30 =	ssub.s32 s5, s7;
	s31 =	sshll.u32 s3, $0x4  }
0xb: {  	v2 =	vlaneseq.u32;
	v3 =	vimm.s32 $0x0;
	s13 =	sor.u32 $0x10, s3;
	s15 =	sadd.s32 $0x20, s3;
	s7 =	simm.s32 $0xF0  }
0xc: {  	v0 =	vor.u32 s3, v2;
	s5 =	sadd.s32 s0, s31;
	s6 =	smax.u32 s30, $0x1;
	v1 =	vor.u32 s13, v2;
	v2 =	vor.u32 s15, v2;
	s15 =	simm.s32 $0x12000  }
.LBB2_16:
0xd: {  	_ =	swait.ge [sflag:s11], $0x6000  }
0xe: {  	[sflag:s11] =	ssyncset.done $0x0  }
0xf: {  	[sflag:s11] =	ssyncadd.s32 $0xFFFFA000  }
0x10: {  	_ =	swait.ge [sflag:s11], $0x6000  }
0x11: {  	[sflag:s11] =	ssyncset.done $0x0  }
0x12: {  	[sflag:s11] =	ssyncadd.s32 $0xFFFFA000  }
0x13: {  	s17 =	sadd.s32 $0x1, s17;
	_ =	swait.ge [sflag:s11], $0x6000  }
0x14: {  	p0 =	sne.s32 s17, s6;
	[sflag:s11] =	ssyncset.done $0x0  }
.Ltmp1:
0x15: {  	[sflag:s11] =	ssyncadd.s32 $0xFFFFA000;
	(pc) =	sbr.rel @!p0 .LBB2_17-.Ltmp1, $4  }
0x16: {  	[hbm4b:s5+s4] =	stream.linear.scatter [tilespmem:s16], [sflag:$0x3], $0x1000, $0x38;
	[tilespmem:$0x19280] =	vst v63  }
0x17: {  	_ =	swait.ge [sflag:s12], $0x1000  }
0x18: {  	[sflag:s12] =	ssyncset.done $0x0  }
0x19: {  	[sflag:s12] =	ssyncadd.s32 $0xFFFFF000  }
.LBB2_1:
0x1a: {  	v5 =	vimm.s32 $0x4E200  }
0x1b: {  	v4 =	vsub.s32 v5, v3  }
0x1c: {  	v4 =	vmul.u32 $0xAAB, v4;
	_ =	sdelay $0x1  }
0x1d: {  	v4 =	vadd.s32 $0x1556, v4  }
0x1e: {  	v4 =	vshra.s32 v4, $0xE  }
0x1f: {  	vm0 =	vgt.s32 v4, $0x1  }
0x20: {  	v12 =	vnsel vm0, $0x1, v4  }
0x21: {  	v8 =	vadd.s32 v3, v12  }
0x22: {  	vm13 =	vlt.s32 v8, $0x4E200  }
0x23: {  	v4 =	vshll.u32 v12, $0x2;
	v8 =	vnsel vm13, $0x4E200, v8  }
0x24: {  	v7 =	vshll.u32 v12, $0x1;
	v4 =	vadd.s32 v3, v4;
	v8 =	vadd.s32 $0xFFFFFFFF, v8  }
0x25: {  	v7 =	vadd.s32 v3, v7;
	vm12 =	vlt.s32 v4, $0x4E200;
	[tilespmem:$0x18090] =	vst v8  }
0x26: {  	vm14 =	vlt.s32 v7, $0x4E200;
	v4 =	vnsel vm12, $0x4E200, v4;
	[tilespmem:$0x180A0] =	vst v8  }
0x27: {  	v7 =	vnsel vm14, $0x4E200, v7;
	v4 =	vadd.s32 $0xFFFFFFFF, v4;
	[tilespmem:$0x18080] =	vst v8  }
0x28: {  	v6 =	vmul.u32 $0x3, v12;
	v7 =	vadd.s32 $0xFFFFFFFF, v7;
	[tilespmem:$0x18110] =	vst v4  }
0x29: {  	[tilespmem:$0x180C0] =	vst v7  }
0x2a: {  	v9 =	vmul.u32 $0x5, v12;
	v6 =	vadd.s32 v3, v6;
	[tilespmem:$0x18120] =	vst v4  }
0x2b: {  	vm1 =	vlt.s32 v6, $0x4E200;
	[tilespmem:$0x180D0] =	vst v7  }
0x2c: {  	v9 =	vadd.s32 v3, v9;
	v6 =	vnsel vm1, $0x4E200, v6;
	[tilespmem:$0x18130] =	vst v4  }
0x2d: {  	vm15 =	vlt.s32 v9, $0x4E200;
	v6 =	vadd.s32 $0xFFFFFFFF, v6;
	[tilespmem:$0x180B0] =	vst v7  }
0x2e: {  	v9 =	vnsel vm15, $0x4E200, v9;
	[tilespmem:$0x180F0] =	vst v6  }
0x2f: {  	v4 =	vadd.s32 $0xFFFFFFFF, v9;
	[tilespmem:$0x18100] =	vst v6  }
0x30: {  	[tilespmem:$0x18160] =	vst v4  }
0x31: {  	[tilespmem:$0x18140] =	vst v4  }
0x32: {  	[tilespmem:$0x18150] =	vst v4  }
0x33: {  	[tilespmem:$0x180E0] =	vst v6  }
0x34: {  	[tilespmem:s9], [sflag:$0x2] =	stream.indirect.gather [hbm4b:s2+s7], $0x1, s8, s7, $0xb8;
	[tilespmem:$0x19280] =	vst v63  }
0x35: {  	_ =	swait.ge [sflag:s10], $0xF0  }
0x36: {  	[sflag:s10] =	ssyncset.done $0x0  }
0x37: {  	[sflag:s10] =	ssyncadd.s32 $0xFFFFFF10  }
0x38: {  	v15 =	vld [tilespmem:$0x18180]  }
0x39: {  	v10 =	vimm.s32 $0x4E200;
	v11 =	vimm.s32 $0x4E200;
	v14 =	vld [tilespmem:$0x181B0]  }
0x3a: {  	s18 =	simm.s32 $0x7;
	v7 =	vimm.s32 $0x0;
	v4 =	vimm.s32 $0x0;
	v8 =	vmovc v12;
	v6 =	vimm.s32 $0x0;
	v9 =	vmovc v12;
	v13 =	vld [tilespmem:$0x18210]  }
.LBB2_2:
0x3b: {  	p0 =	sne.s32 s18, $0x1;
	s18 =	sadd.s32 $0xFFFFFFFF, s18;
	v16 =	vld [tilespmem:$0x18240]  }
0x3c: {  	v17 =	vld [tilespmem:$0x181E0]  }
0x3d: {  	vm0 =	vlt.s32 v15, v0;
	v15 =	vld [tilespmem:$0x181A0]  }
0x3e: {  	vm1 =	vlt.s32 v14, v0;
	v14 =	vld [tilespmem:$0x181D0]  }
0x3f: {  	v18 =	vsel vm0, $0x1, v3;
	v19 =	vsel vm1, $0x1, v3;
	v20 =	vld [tilespmem:$0x18200];
	vm0 =	vlt.s32 v13, v0  }
0x40: {  	v13 =	vadd.s32 v18, v19;
	v18 =	vld [tilespmem:$0x18230];
	vm1 =	vlt.s32 v16, v0  }
0x41: {  	v16 =	vsel vm0, $0x1, v3;
	vm2 =	vlt.s32 v17, v0;
	v17 =	vld [tilespmem:$0x18260]  }
0x42: {  	v21 =	vsel vm1, $0x1, v3;
	v19 =	vld [tilespmem:$0x18190];
	vm0 =	vlt.s32 v15, v2;
	v15 =	vsel vm2, $0x1, v3  }
0x43: {  	v22 =	vld [tilespmem:$0x181C0];
	vm1 =	vlt.s32 v14, v2;
	v13 =	vadd.s32 v15, v13  }
0x44: {  	v14 =	vsel vm0, $0x1, v3;
	v15 =	vld [tilespmem:$0x181F0];
	vm2 =	vlt.s32 v20, v2;
	v13 =	vadd.s32 v16, v13  }
0x45: {  	v16 =	vld [tilespmem:$0x18220];
	vm3 =	vlt.s32 v18, v2;
	v13 =	vadd.s32 v21, v13  }
0x46: {  	v18 =	vld [tilespmem:$0x18250];
	vm0 =	vlt.s32 v17, v2;
	v17 =	vmul.u32 v12, v13;
	v20 =	vadd.s32 $0x1, v13  }
0x47: {  	vm4 =	vlt.s32 v19, v1;
	v12 =	vmul.u32 v12, v20  }
0x48: {  	v19 =	vsel vm4, $0x1, v3;
	vm4 =	vlt.s32 v22, v1;
	v17 =	vadd.s32 v7, v17  }
0x49: {  	v20 =	vsel vm4, $0x1, v3;
	vm4 =	vlt.s32 v17, $0x4E200;
	v12 =	vadd.s32 v12, v7  }
0x4a: {  	v19 =	vadd.s32 v19, v20;
	v7 =	vnsel vm4, $0x4E200, v17;
	v12 =	vadd.s32 $0xFFFFFFFF, v12  }
0x4b: {  	v17 =	vsel vm1, $0x1, v3;
	v20 =	vsel vm2, $0x1, v3;
	vm1 =	vlt.s32 v12, v5  }
0x4c: {  	v14 =	vadd.s32 v14, v17;
	v12 =	vsel vm1, v12, v5;
	vm1 =	vlt.u32 v13, $0x5  }
0x4d: {  	v13 =	vadd.s32 v20, v14;
	v14 =	vsel vm3, $0x1, v3;
	v5 =	vsel vm1, v12, v5  }
0x4e: {  	vm1 =	vlt.s32 v15, v1;
	v12 =	vadd.s32 v14, v13;
	v13 =	vsel vm0, $0x1, v3  }
0x4f: {  	vm0 =	vlt.s32 v16, v1;
	v14 =	vsel vm1, $0x1, v3;
	v12 =	vadd.s32 v13, v12  }
0x50: {  	v13 =	vadd.s32 v14, v19;
	v14 =	vmul.u32 v8, v12;
	v15 =	vadd.s32 $0x1, v12  }
0x51: {  	v16 =	vsel vm0, $0x1, v3;
	vm0 =	vlt.s32 v18, v1;
	v8 =	vmul.u32 v8, v15  }
0x52: {  	v13 =	vadd.s32 v16, v13;
	v15 =	vsel vm0, $0x1, v3;
	v14 =	vadd.s32 v4, v14  }
0x53: {  	v13 =	vadd.s32 v15, v13;
	vm0 =	vlt.s32 v14, $0x4E200;
	v8 =	vadd.s32 v8, v4  }
0x54: {  	v15 =	vadd.s32 $0x1, v13;
	v4 =	vnsel vm0, $0x4E200, v14;
	v8 =	vadd.s32 $0xFFFFFFFF, v8  }
0x55: {  	v14 =	vmul.u32 v9, v13;
	v9 =	vmul.u32 v9, v15;
	vm0 =	vlt.s32 v8, v10  }
0x56: {  	v15 =	vsub.s32 v5, v7;
	v8 =	vsel vm0, v8, v10;
	vm0 =	vlt.u32 v12, $0x5  }
0x57: {  	v12 =	vmul.u32 $0xAAB, v15;
	v9 =	vadd.s32 v9, v6;
	v10 =	vsel vm0, v8, v10  }
0x58: {  	v6 =	vadd.s32 v6, v14;
	v8 =	vadd.s32 $0xFFFFFFFF, v9;
	vm0 =	vlt.u32 v13, $0x5  }
0x59: {  	vm1 =	vlt.s32 v6, $0x4E200;
	v9 =	vadd.s32 $0x1556, v12;
	vm2 =	vlt.s32 v8, v11  }
0x5a: {  	v12 =	vsub.s32 v10, v4;
	v9 =	vshra.s32 v9, $0xE;
	v8 =	vsel vm2, v8, v11  }
0x5b: {  	v13 =	vmul.u32 $0xAAB, v12;
	vm2 =	vgt.s32 v9, $0x1;
	v11 =	vsel vm0, v8, v11  }
0x5c: {  	v6 =	vnsel vm1, $0x4E200, v6;
	v12 =	vnsel vm2, $0x1, v9  }
0x5d: {  	v8 =	vadd.s32 $0x1556, v13;
	v9 =	vmul.u32 $0x3, v12;
	v13 =	vshll.u32 v12, $0x2  }
0x5e: {  	v8 =	vshra.s32 v8, $0xE;
	v14 =	vshll.u32 v12, $0x1;
	v13 =	vadd.s32 v7, v13  }
0x5f: {  	v15 =	vadd.s32 v7, v12;
	v16 =	vmul.u32 $0x5, v12;
	vm0 =	vgt.s32 v8, $0x1  }
0x60: {  	v17 =	vsub.s32 v11, v6;
	v8 =	vnsel vm0, $0x1, v8;
	vm0 =	vlt.s32 v13, $0x4E200  }
0x61: {  	v17 =	vmul.u32 $0xAAB, v17;
	v16 =	vadd.s32 v7, v16;
	v13 =	vnsel vm0, $0x4E200, v13  }
0x62: {  	v18 =	vmul.u32 $0x3, v8;
	v19 =	vmul.u32 $0x5, v8;
	v13 =	vadd.s32 $0xFFFFFFFF, v13  }
0x63: {  	v17 =	vadd.s32 $0x1556, v17;
	v20 =	vadd.s32 v7, v9;
	vm0 =	vlt.s32 v16, $0x4E200  }
0x64: {  	v9 =	vshra.s32 v17, $0xE;
	v17 =	vadd.s32 v4, v8;
	v18 =	vadd.s32 v4, v18  }
0x65: {  	v14 =	vadd.s32 v7, v14;
	vm1 =	vgt.s32 v9, $0x1;
	vm2 =	vlt.s32 v18, $0x4E200  }
0x66: {  	v21 =	vshll.u32 v8, $0x1;
	v9 =	vnsel vm1, $0x1, v9;
	v18 =	vnsel vm2, $0x4E200, v18  }
0x67: {  	v21 =	vadd.s32 v4, v21;
	v22 =	vmul.u32 $0x5, v9;
	[tilespmem:$0x18110] =	vst v13;
	v13 =	vshll.u32 v9, $0x2  }
0x68: {  	v23 =	vshll.u32 v9, $0x1;
	v24 =	vmul.u32 $0x3, v9;
	v18 =	vadd.s32 $0xFFFFFFFF, v18  }
0x69: {  	vm1 =	vlt.s32 v21, $0x4E200;
	v22 =	vadd.s32 v6, v22;
	v13 =	vadd.s32 v6, v13  }
0x6a: {  	v25 =	vadd.s32 v6, v9;
	v24 =	vadd.s32 v6, v24;
	vm2 =	vlt.s32 v13, $0x4E200  }
0x6b: {  	vm3 =	vlt.s32 v25, $0x4E200;
	v23 =	vadd.s32 v6, v23;
	vm4 =	vlt.s32 v24, $0x4E200  }
0x6c: {  	v25 =	vnsel vm3, $0x4E200, v25;
	vm3 =	vlt.s32 v23, $0x4E200;
	v24 =	vnsel vm4, $0x4E200, v24  }
0x6d: {  	v21 =	vnsel vm1, $0x4E200, v21;
	v25 =	vadd.s32 $0xFFFFFFFF, v25;
	v23 =	vnsel vm3, $0x4E200, v23  }
0x6e: {  	v23 =	vadd.s32 $0xFFFFFFFF, v23;
	v24 =	vadd.s32 $0xFFFFFFFF, v24;
	v13 =	vnsel vm2, $0x4E200, v13;
	[tilespmem:$0x18090] =	vst v25  }
0x6f: {  	v21 =	vadd.s32 $0xFFFFFFFF, v21;
	v13 =	vadd.s32 $0xFFFFFFFF, v13;
	[tilespmem:$0x180F0] =	vst v24;
	v24 =	vshll.u32 v8, $0x2  }
0x70: {  	v19 =	vadd.s32 v4, v19;
	vm1 =	vlt.s32 v17, $0x4E200;
	[tilespmem:$0x180C0] =	vst v23;
	v23 =	vadd.s32 v4, v24  }
0x71: {  	vm4 =	vlt.s32 v19, $0x4E200;
	vm2 =	vlt.s32 v14, $0x4E200;
	[tilespmem:$0x18120] =	vst v13;
	vm3 =	vlt.s32 v23, $0x4E200  }
0x72: {  	v14 =	vnsel vm2, $0x4E200, v14;
	v13 =	vnsel vm1, $0x4E200, v17;
	[tilespmem:$0x18100] =	vst v18;
	v17 =	vnsel vm3, $0x4E200, v23  }
0x73: {  	v14 =	vadd.s32 $0xFFFFFFFF, v14;
	v18 =	vnsel vm4, $0x4E200, v19;
	[tilespmem:$0x180D0] =	vst v21;
	v17 =	vadd.s32 $0xFFFFFFFF, v17  }
0x74: {  	v16 =	vnsel vm0, $0x4E200, v16;
	v13 =	vadd.s32 $0xFFFFFFFF, v13;
	[tilespmem:$0x18130] =	vst v17;
	v17 =	vadd.s32 $0xFFFFFFFF, v18  }
0x75: {  	vm0 =	vlt.s32 v20, $0x4E200;
	vm1 =	vlt.s32 v22, $0x4E200;
	[tilespmem:$0x180A0] =	vst v13;
	v13 =	vadd.s32 $0xFFFFFFFF, v16  }
0x76: {  	vm2 =	vlt.s32 v15, $0x4E200;
	v18 =	vnsel vm1, $0x4E200, v22;
	v16 =	vnsel vm0, $0x4E200, v20;
	[tilespmem:$0x18160] =	vst v17  }
0x77: {  	v15 =	vnsel vm2, $0x4E200, v15;
	v16 =	vadd.s32 $0xFFFFFFFF, v16;
	[tilespmem:$0x18140] =	vst v13;
	v13 =	vadd.s32 $0xFFFFFFFF, v18  }
0x78: {  	v15 =	vadd.s32 $0xFFFFFFFF, v15;
	[tilespmem:$0x18150] =	vst v13  }
0x79: {  	[tilespmem:$0x18080] =	vst v15  }
0x7a: {  	[tilespmem:$0x180E0] =	vst v16  }
0x7b: {  	[tilespmem:$0x180B0] =	vst v14  }
0x7c: {  	[tilespmem:s9], [sflag:$0x2] =	stream.indirect.gather [hbm4b:s2+s7], $0x1, s8, s7, $0xb8;
	[tilespmem:$0x19280] =	vst v63  }
0x7d: {  	_ =	swait.ge [sflag:s10], $0xF0  }
.Ltmp2:
0x7e: {  	[sflag:s10] =	ssyncset.done $0x0;
	(pc) =	sbr.rel @p0 .LBB2_2-.Ltmp2, $4  }
0x7f: {  	[sflag:s10] =	ssyncadd.s32 $0xFFFFFF10  }
0x80: {  	v15 =	vld [tilespmem:$0x18180]  }
0x81: {  	v14 =	vld [tilespmem:$0x181B0]  }
0x82: {  	v13 =	vld [tilespmem:$0x18210]  }
0x83: {  	v5 =	vld [tilespmem:$0x181E0];
	_ =	sdelay $0x1  }
0x84: {  	v10 =	vld [tilespmem:$0x18240];
	_ =	sdelay $0x1  }
0x85: {  	vm0 =	vlt.s32 v15, v0;
	vm1 =	vlt.s32 v14, v0  }
0x86: {  	v11 =	vsel vm0, $0x1, v3;
	v14 =	vsel vm1, $0x1, v3;
	vm15 =	vlt.s32 v5, v0  }
0x87: {  	vm4 =	vlt.s32 v13, v0;
	v5 =	vadd.s32 v11, v14;
	v43 =	vsel vm15, $0x1, v3  }
0x88: {  	vm5 =	vlt.s32 v10, v0;
	v44 =	vsel vm4, $0x1, v3;
	v5 =	vadd.s32 v43, v5  }
0x89: {  	v45 =	vsel vm5, $0x1, v3;
	v5 =	vadd.s32 v44, v5  }
0x8a: {  	v5 =	vadd.s32 v45, v5  }
0x8b: {  	v5 =	vmul.u32 v12, v5;
	_ =	sdelay $0x1  }
0x8c: {  	v5 =	vadd.s32 v7, v5  }
0x8d: {  	vm6 =	vlt.s32 v5, $0x4E200  }
0x8e: {  	v5 =	vnsel vm6, $0x4E200, v5  }
0x8f: {  	v46 =	vld [tilespmem:$0x181A0];
	(v2sf) =	vpush v5, $0x0  }
0x90: {  	v47 =	vld [tilespmem:$0x181D0]  }
0x91: {  	v48 =	vld [tilespmem:$0x18200]  }
0x92: {  	v49 =	vld [tilespmem:$0x18190]  }
0x93: {  	v50 =	vld [tilespmem:$0x181C0]  }
0x94: {  	v51 =	vld [tilespmem:$0x18230]  }
0x95: {  	v52 =	vld [tilespmem:$0x18260]  }
0x96: {  	v53 =	vld [tilespmem:$0x181F0]  }
0x97: {  	v16 =	vld [tilespmem:$0x18220]  }
0x98: {  	v55 =	vld [tilespmem:$0x18250];
	_ =	sdelay $0x1  }
0x99: {  	vm7 =	vlt.s32 v46, v2;
	vm8 =	vlt.s32 v47, v2;
	vm9 =	vlt.s32 v48, v2  }
0x9a: {  	vm2 =	vlt.s32 v49, v1;
	vm3 =	vlt.s32 v50, v1;
	vm4 =	vlt.s32 v51, v2  }
0x9b: {  	vm10 =	vlt.s32 v52, v2;
	vm11 =	vlt.s32 v53, v1;
	vm12 =	vlt.s32 v16, v1  }
0x9c: {  	vm13 =	vlt.s32 v55, v1;
	v54 =	vsel vm7, $0x1, v3;
	v13 =	vsel vm3, $0x1, v3  }
0x9d: {  	v56 =	vsel vm8, $0x1, v3;
	v57 =	vsel vm9, $0x1, v3;
	v59 =	vsel vm11, $0x1, v3;
	s0 =	spop (v2sf)  }
0x9e: {  	v60 =	vsel vm12, $0x1, v3;
	v10 =	vadd.s32 v54, v56;
	v12 =	vsel vm2, $0x1, v3;
	s3 =	sand.u32 $0x7, s0  }
0x9f: {  	v61 =	vsel vm4, $0x1, v3;
	v58 =	vadd.s32 v57, v10;
	v12 =	vadd.s32 v12, v13;
	s13 =	sshra.s32 s0, $0x1F;
	p0 =	slt.s32 s0, $0x1;
	p1 =	sne.s32 s3, $0x0  }
0xa0: {  	v63 =	vsel vm10, $0x1, v3;
	v10 =	vadd.s32 v59, v12;
	v7 =	vadd.s32 v61, v58;
	s29 =	sshrl.u32 s13, $0x1D;
	p0 =	por !p0, !p1  }
0xa1: {  	v62 =	vsel vm13, $0x1, v3;
	v10 =	vadd.s32 v60, v10;
	v7 =	vadd.s32 v63, v7;
	s3 =	simm.s32 $0x1;
	s0 =	sadd.s32 s29, s0;
	p0 =	por !p0, !p0  }
0xa2: {  	v10 =	vadd.s32 v62, v10;
	v7 =	vmul.u32 v8, v7;
	s0 =	sshrl.u32 s0, $0x3;
	s3 =	simm.s32 @!p0 $0x0  }
0xa3: {  	v9 =	vmul.u32 v9, v10;
	s0 =	ssub.s32 s0, s3  }
0xa4: {  	v4 =	vadd.s32 v4, v7;
	s0 =	sshll.u32 s0, $0x3  }
0xa5: {  	v6 =	vadd.s32 v6, v9;
	vm15 =	vlt.s32 v4, $0x4E200;
	p0 =	slt.s32 s0, $0x4E140;
	s3 =	smov.u32 s0  }
0xa6: {  	[tilespmem:$0x18000] =	vst v5;
	vm14 =	vlt.s32 v6, $0x4E200;
	v4 =	vnsel vm15, $0x4E200, v4;
	s3 =	simm.s32 @!p0 $0x4E140  }
0xa7: {  	v6 =	vnsel vm14, $0x4E200, v6;
	[tilespmem:$0x18020] =	vst v4;
	s3 =	sshll.u32 s3, $0x4  }
0xa8: {  	s28 =	simm.s32 $0x0;
	[tilespmem:$0x18010] =	vst v6;
	s3 =	sadd.s32 s1, s3  }
0xa9: {  	[tilespmem:s28], [sflag:$0x3] =	stream.linear.gather [hbm4b:s3+s28], $0x6000, $0x38;
	[tilespmem:$0x19280] =	vst v63  }
0xaa: {  	s3 =	sadd.s32 $0xC0, s0  }
0xab: {  	p0 =	slt.s32 s3, $0x4E140  }
0xac: {  	_ =	swait.ge [sflag:s12], $0x6000;
	s3 =	simm.s32 @!p0 $0x4E140  }
0xad: {  	[sflag:s12] =	ssyncset.done $0x0;
	s3 =	sshll.u32 s3, $0x4  }
0xae: {  	s30 =	simm.s32 $0x6000;
	[sflag:s12] =	ssyncadd.s32 $0xFFFFA000;
	s3 =	sadd.s32 s1, s3  }
0xaf: {  	[tilespmem:s30], [sflag:$0x1] =	stream.linear.gather [hbm4b:s3+s28], $0x6000, $0x38;
	[tilespmem:$0x19280] =	vst v63  }
0xb0: {  	s3 =	sadd.s32 $0x180, s0  }
0xb1: {  	p0 =	slt.s32 s3, $0x4E140  }
0xb2: {  	s3 =	simm.s32 @!p0 $0x4E140  }
0xb3: {  	s3 =	sshll.u32 s3, $0x4  }
0xb4: {  	s31 =	simm.s32 $0xC000;
	s3 =	sadd.s32 s1, s3  }
0xb5: {  	[tilespmem:s31], [sflag:$0x1] =	stream.linear.gather [hbm4b:s3+s28], $0x6000, $0x38;
	[tilespmem:$0x19280] =	vst v63  }
0xb6: {  	s3 =	sadd.s32 $0x240, s0  }
.Ltmp3:
0xb7: {  	p0 =	slt.s32 s3, $0x4E140;
	(pc) =	sbr.rel .LBB2_4-.Ltmp3, $4  }
0xb8: {  	s3 =	simm.s32 @!p0 $0x4E140  }
0xb9: {  	s3 =	sshll.u32 s3, $0x4  }
0xba: {  	s18 =	simm.s32 $0x0;
	s3 =	sadd.s32 s1, s3  }
0xbb: {  	[tilespmem:s15], [sflag:$0x1] =	stream.linear.gather [hbm4b:s3+s28], $0x6000, $0x38;
	[tilespmem:$0x19280] =	vst v63  }
.LBB2_5:
0xbc: {  	v11 =	vimm.f32 $-Inf  }
0xbd: {  	v10 =	vimm.f32 $-Inf;
	v4 =	vimm.f32 $-Inf;
	v8 =	vimm.f32 $-Inf  }
0xbe: {  	v7 =	vimm.f32 $-Inf;
	v6 =	vimm.f32 $-Inf;
	v5 =	vimm.f32 $-Inf  }
.LBB2_15:
0xbf: {  	s3 =	sshll.u32 s18, $0x7  }
0xc0: {  	s3 =	sand.u32 $0x3FFFFF80, s3  }
0xc1: {  	[tilespmem:s3+$0x18280] =	vst v9  }
0xc2: {  	s18 =	sadd.s32 $0x1, s18;
	[tilespmem:s3+$0x18290] =	vst v11  }
0xc3: {  	p0 =	sne.s32 s18, $0x20;
	[tilespmem:s3+$0x182A0] =	vst v10  }
.Ltmp4:
0xc4: {  	[tilespmem:s3+$0x182B0] =	vst v4;
	(pc) =	sbr.rel @!p0 .LBB2_16-.Ltmp4, $4  }
0xc5: {  	[tilespmem:s3+$0x182C0] =	vst v8  }
0xc6: {  	[tilespmem:s3+$0x182D0] =	vst v7  }
0xc7: {  	[tilespmem:s3+$0x182E0] =	vst v6  }
0xc8: {  	[tilespmem:s3+$0x182F0] =	vst v5  }
.LBB2_4:
0xc9: {  	v4 =	vld [tilespmem:s18+$0x18000];
	_ =	sdelay $0x4  }
0xca: {  	(v2sf) =	vpush v4, $0x0  }
0xcb: {  	(v2sf) =	vpush v4, $0x1;
	_ =	sdelay $0xd  }
0xcc: {  	s3 =	spop (v2sf)  }
0xcd: {  	s24 =	spop (v2sf)  }
0xce: {  	p0 =	sge.s32 s3, s24  }
.Ltmp5:
0xcf: {  	_ = 	snop;
	(pc) =	sbr.rel @p0 .LBB2_5-.Ltmp5, $2  }
0xd0: {  	_ =	sdelay $0x2  }
0xd1: {  	v9 =	vimm.f32 $-Inf  }
0xd2: {  	s29 =	sadd.s32 $0x1, s3  }
0xd3: {  	p3 =	sne.s32 s24, s29  }
.Ltmp6:
0xd4: {  	_ = 	snop;
	(pc) =	sbr.rel @!p3 .LBB2_7-.Ltmp6, $4  }
0xd5: {  	s13 =	sshll.u32 s3, $0x9;
	s20 =	sadd.s32 $0xC0, s0;
	s31 =	sadd.s32 $0x1, s28  }
0xd6: {  	p0 =	por $0x0, $0x0;
	p2 =	por $0x0, $0x0;
	s13 =	sshra.s32 s13, $0x2  }
0xd7: {  	p1 =	slt.s32 s3, s20;
	s21 =	sand.u32 $0x3, s31;
	s19 =	sor.u32 $0x70, s13  }
0xd8: {  	v4 =	vimm.f32 $-Inf;
	s22 =	smul.u32 @!p1 $0x18000, s28;
	s26 =	sadd.s32 @!p1 $0x300, s0;
	s20 =	smov.u32 @p1 s0  }
0xd9: {  	p0 =	slt.s32 @!p1 s26, $0x4E140;
	s21 =	smov.u32 @p1 s28;
	p3 =	slt.s32 s20, $0x4E140  }
0xda: {  	s0 =	smov.u32 s20;
	s31 =	simm.s32 @!p1 $0x1;
	s13 =	sadd.s32 $0x1, s29  }
0xdb: {  	p0 =	por !p0, p1;
	s28 =	sadd.s32 $0x1, s21;
	s0 =	simm.s32 @!p3 $0x4E140  }
0xdc: {  	s30 =	smul.u32 $0x18000, s21;
	s23 =	sshra.s32 @!p1 s22, $0x2;
	p3 =	por p1, p1  }
0xdd: {  	p4 =	sne.s32 s24, s13;
	s26 =	simm.s32 @p0 $0x4E140;
	s0 =	sshll.u32 s0, $0x9  }
.Ltmp7:
0xde: {  	s3 =	sshll.u32 @!p1 s26, $0x4;
	s0 =	ssub.s32 s30, s0;
	(pc) =	sbr.rel @!p4 .LBB2_9-.Ltmp7, $4  }
0xdf: {  	p0 =	por $0x1, $0x1;
	s3 =	sand.u32 @!p1 $0xFFFFF80, s3;
	s0 =	sshra.s32 s0, $0x2  }
0xe0: {  	s25 =	sadd.s32 @!p1 s1, s3;
	s3 =	sadd.s32 $0xC0, s20;
	s0 =	sadd.s32 s0, s19  }
0xe1: {  	s19 =	sadd.s32 $0x80, s19;
	p1 =	slt.s32 s29, s3;
	s29 =	sand.u32 $0x3, s28  }
0xe2: {  	s22 =	smul.u32 @!p1 $0x18000, s21;
	s26 =	sadd.s32 @!p1 $0x300, s20;
	s3 =	smov.u32 @p1 s20  }
0xe3: {  	p2 =	slt.s32 @!p1 s26, $0x4E140  }
0xe4: {  	_ =	swait.ge @!p3 [sflag:s31], $0x6000;
	s29 =	smov.u32 @p1 s21;
	s20 =	simm.s32 @!p3 $0x0  }
0xe5: {  	p4 =	slt.s32 s3, $0x4E140;
	s21 =	smov.u32 s3;
	s28 =	sadd.s32 $0x1, s13  }
0xe6: {  	[sflag:s31] =	ssyncset.done @!p3 $0x0;
	p2 =	por !p2, p1;
	s14 =	sadd.s32 $0x1, s29  }
0xe7: {  	s21 =	simm.s32 @!p4 $0x4E140;
	p4 =	sne.s32 s24, s28;
	[sflag:s31] =	ssyncadd.s32 @!p3 $0xFFFFA000  }
0xe8: {  	s26 =	simm.s32 @p2 $0x4E140;
	s31 =	simm.s32 @!p1 $0x1;
	s21 =	sshll.u32 s21, $0x9  }
0xe9: {  	[tilespmem:s23], [sflag:$0x1] =	stream.linear.gather @!p3 [hbm4b:s25+s20], $0x6000, $0x38;
	[tilespmem:$0x19280] =	vst v63  }
0xea: {  	p2 =	por $0x1, $0x1;
	s20 =	sshll.u32 @!p1 s26, $0x4;
	s26 =	smul.u32 $0x18000, s29;
	v5 =	vld [tilespmem:s0+$0x0]  }
.Ltmp8:
0xeb: {  	s23 =	sshra.s32 @!p1 s22, $0x2;
	s20 =	sand.u32 @!p1 $0xFFFFF80, s20;
	v12 =	vld [tilespmem:s0+$0xFFFFFFC0];
	(pc) =	sbr.rel @!p4 .LBB2_11-.Ltmp8, $4  }
0xec: {  	v11 =	vld [tilespmem:s0+$0xFFFFFFF0];
	s25 =	sadd.s32 @!p1 s1, s20;
	s26 =	ssub.s32 s26, s21;
	s20 =	sadd.s32 $0xC0, s3  }
0xed: {  	v6 =	vimm.f32 $-Inf;
	v7 =	vimm.f32 $-Inf;
	p3 =	por p1, p1;
	v14 =	vld [tilespmem:s0+$0xFFFFFFE0];
	s21 =	sshra.s32 s26, $0x2;
	p1 =	slt.s32 s13, s20  }
0xee: {  	v8 =	vimm.f32 $-Inf;
	v10 =	vimm.f32 $-Inf;
	v13 =	vimm.f32 $-Inf;
	v16 =	vld [tilespmem:s0+$0xFFFFFFD0];
	s30 =	sadd.s32 s21, s19;
	s21 =	sand.u32 $0x3, s14;
	s19 =	sadd.s32 $0x80, s19  }
0xef: {  	v15 =	vimm.f32 $-Inf;
	v17 =	vld [tilespmem:s0+$0xFFFFFFB0];
	s22 =	smul.u32 @!p1 $0x18000, s29;
	s26 =	sadd.s32 @!p1 $0x300, s3;
	s20 =	smov.u32 @p1 s3;
	v9 =	vmax.f32 v4, v5;
	v5 =	vimm.f32 $-Inf  }
.LBB2_12:
0xf0: {  	s3 =	smov.u32 s20  }
0xf1: {  	s13 =	smov.u32 s29;
	p4 =	slt.s32 @!p1 s26, $0x4E140;
	s29 =	smov.u32 s21  }
0xf2: {  	s14 =	smov.u32 s28;
	p5 =	slt.s32 s20, $0x4E140;
	s28 =	sadd.s32 $0x1, s28  }
0xf3: {  	v5 =	vmax.f32 v5, v12;
	s29 =	smov.u32 @p1 s13;
	s13 =	simm.s32 @!p3 $0x0;
	v18 =	vld [tilespmem:s0+$0xFFFFFFA0];
	p4 =	por !p4, p1  }
0xf4: {  	v6 =	vmax.f32 v6, v11;
	s21 =	sadd.s32 $0x1, s29;
	v12 =	vld [tilespmem:s0+$0xFFFFFF90];
	s26 =	simm.s32 @p4 $0x4E140;
	s0 =	smov.u32 s20  }
0xf5: {  	v7 =	vmax.f32 v7, v14;
	p4 =	sne.s32 s24, s28;
	s0 =	simm.s32 @!p5 $0x4E140;
	_ =	swait.ge @!p3 [sflag:s31], $0x6000  }
0xf6: {  	s20 =	sshll.u32 @!p1 s26, $0x4;
	s26 =	smul.u32 $0x18000, s29;
	v8 =	vmax.f32 v8, v16;
	[sflag:s31] =	ssyncset.done @!p3 $0x0  }
0xf7: {  	s20 =	sand.u32 @!p1 $0xFFFFF80, s20;
	v10 =	vmax.f32 v10, v17;
	[sflag:s31] =	ssyncadd.s32 @!p3 $0xFFFFA000;
	s31 =	simm.s32 @!p1 $0x1  }
0xf8: {  	[tilespmem:s23], [sflag:$0x1] =	stream.linear.gather @!p3 [hbm4b:s25+s13], $0x6000, $0x38;
	v13 =	vmax.f32 v13, v18;
	[tilespmem:$0x19280] =	vst v63  }
0xf9: {  	s0 =	sshll.u32 s0, $0x9;
	s23 =	sshra.s32 @!p1 s22, $0x2;
	s25 =	sadd.s32 @!p1 s1, s20;
	v18 =	vld [tilespmem:s30+$0x0];
	v15 =	vmax.f32 v15, v12  }
.Ltmp9:
0xfa: {  	s0 =	ssub.s32 s26, s0;
	v12 =	vld [tilespmem:s30+$0xFFFFFFC0];
	(pc) =	sbr.rel @p4 .LBB2_12-.Ltmp9, $4  }
0xfb: {  	s13 =	sshra.s32 s0, $0x2;
	s0 =	smov.u32 s30;
	v11 =	vld [tilespmem:s30+$0xFFFFFFF0]  }
0xfc: {  	s20 =	sadd.s32 $0xC0, s3;
	p3 =	por p1, p1;
	s30 =	sadd.s32 s13, s19;
	v14 =	vld [tilespmem:s0+$0xFFFFFFE0]  }
0xfd: {  	s21 =	sand.u32 $0x3, s21;
	p1 =	slt.s32 s14, s20;
	s19 =	sadd.s32 $0x80, s19;
	v16 =	vld [tilespmem:s0+$0xFFFFFFD0]  }
0xfe: {  	s22 =	smul.u32 @!p1 $0x18000, s29;
	s26 =	sadd.s32 @!p1 $0x300, s3;
	s20 =	smov.u32 @p1 s3;
	v17 =	vld [tilespmem:s0+$0xFFFFFFB0];
	v9 =	vmax.f32 v9, v18  }
0xff: {  	s13 =	smov.u32 s0;
	s28 =	smov.u32 s29;
	s0 =	smov.u32 s30  }
.LBB2_14:
0x100: {  	v18 =	vld @p2 [tilespmem:s13+$0xFFFFFFA0];
	p3 =	por p3, !p0  }
0x101: {  	v19 =	vld @p2 [tilespmem:s13+$0xFFFFFF90];
	_ =	swait.ge @!p3 [sflag:s31], $0x6000  }
0x102: {  	[sflag:s31] =	ssyncset.done @!p3 $0x0  }
0x103: {  	s3 =	simm.s32 @!p3 $0x0;
	[sflag:s31] =	ssyncadd.s32 @!p3 $0xFFFFA000  }
0x104: {  	[tilespmem:s23], [sflag:$0x1] =	stream.linear.gather @!p3 [hbm4b:s25+s3], $0x6000, $0x38;
	[tilespmem:$0x19280] =	vst v63  }
0x105: {  	v20 =	vld @p0 [tilespmem:s0+$0x0]  }
0x106: {  	v21 =	vld @p0 [tilespmem:s0+$0xFFFFFFC0]  }
0x107: {  	v22 =	vld @p0 [tilespmem:s0+$0xFFFFFFF0]  }
0x108: {  	s21 =	smov.u32 @p1 s28;
	p4 =	slt.s32 s20, $0x4E140;
	v23 =	vld @p0 [tilespmem:s0+$0xFFFFFFE0]  }
0x109: {  	s14 =	smul.u32 $0x18000, s21;
	p3 =	slt.s32 @!p1 s26, $0x4E140;
	s3 =	smov.u32 s20;
	v24 =	vld @p0 [tilespmem:s0+$0xFFFFFFD0]  }
0x10a: {  	p3 =	por !p3, p1;
	s3 =	simm.s32 @!p4 $0x4E140;
	v25 =	vld @p0 [tilespmem:s0+$0xFFFFFFB0];
	s0 =	smov.u32 @p0 s0  }
0x10b: {  	s23 =	simm.s32 @!p1 $0x1;
	s26 =	simm.s32 @p3 $0x4E140;
	v26 =	vld @p0 [tilespmem:s0+$0xFFFFFFA0];
	s3 =	sshll.u32 s3, $0x9  }
0x10c: {  	p3 =	por p1, p1;
	v27 =	vld @p0 [tilespmem:s0+$0xFFFFFF90];
	s0 =	sshra.s32 @!p1 s22, $0x2;
	s13 =	sshll.u32 @!p1 s26, $0x4  }
0x10d: {  	s3 =	ssub.s32 s14, s3;
	_ =	swait.ge @!p3 [sflag:s23], $0x6000;
	s14 =	simm.s32 @!p3 $0x0  }
0x10e: {  	s13 =	sand.u32 @!p1 $0xFFFFF80, s13;
	s3 =	sshra.s32 s3, $0x2;
	[sflag:s23] =	ssyncset.done @!p3 $0x0  }
0x10f: {  	v5 =	vmax.f32 @p2 v5, v12;
	s13 =	sadd.s32 @!p1 s1, s13;
	s3 =	sadd.s32 s3, s19;
	[sflag:s23] =	ssyncadd.s32 @!p3 $0xFFFFA000  }
0x110: {  	v6 =	vmax.f32 @p2 v6, v11;
	v7 =	vmax.f32 @p2 v7, v14;
	v5 =	vpsel p2, v5, v4;
	[tilespmem:s0], [sflag:$0x1] =	stream.linear.gather @!p3 [hbm4b:s13+s14], $0x6000, $0x38;
	[tilespmem:$0x19280] =	vst v63  }
0x111: {  	v6 =	vpsel p2, v6, v4;
	v8 =	vmax.f32 @p2 v8, v16;
	v10 =	vmax.f32 @p2 v10, v17;
	v55 =	vld [tilespmem:s3+$0x0]  }
0x112: {  	v8 =	vpsel p2, v8, v4;
	v11 =	vmax.f32 @p2 v13, v18;
	v12 =	vmax.f32 @p2 v15, v19;
	v56 =	vld [tilespmem:s3+$0xFFFFFFC0]  }
0x113: {  	v11 =	vpsel p2, v11, v4;
	v12 =	vpsel p2, v12, v4;
	v9 =	vmax.f32 @p0 v9, v20;
	v57 =	vld [tilespmem:s3+$0xFFFFFFF0]  }
0x114: {  	v14 =	vpsel p0, v21, v0;
	v16 =	vpsel p0, v22, v0;
	v18 =	vpsel p0, v24, v0;
	v58 =	vld [tilespmem:s3+$0xFFFFFFE0]  }
0x115: {  	v14 =	vmax.f32 @p0 v5, v14;
	v5 =	vpsel p2, v7, v4;
	v7 =	vpsel p0, v23, v0;
	v59 =	vld [tilespmem:s3+$0xFFFFFFD0]  }
0x116: {  	v6 =	vmax.f32 @p0 v6, v16;
	v8 =	vmax.f32 @p0 v8, v18;
	v60 =	vld [tilespmem:s3+$0xFFFFFFB0];
	v11 =	vmax.f32 @p0 v11, v26  }
0x117: {  	v61 =	vld [tilespmem:s3+$0xFFFFFFA0];
	v7 =	vmax.f32 @p0 v5, v7;
	v5 =	vpsel p2, v10, v4;
	v10 =	vpsel p0, v25, v0  }
0x118: {  	v62 =	vld [tilespmem:s3+$0xFFFFFF90];
	v63 =	vpsel p0, v14, v4;
	v6 =	vpsel p0, v6, v4;
	v8 =	vpsel p0, v8, v4  }
.Ltmp10:
0x119: {  	v11 =	vpsel p0, v11, v4;
	v10 =	vmax.f32 @p0 v5, v10;
	v5 =	vpsel p0, v9, v4;
	(pc) =	sbr.rel .LBB2_15-.Ltmp10, $4  }
0x11a: {  	v9 =	vmax.f32 @p0 v12, v27;
	v7 =	vpsel p0, v7, v4;
	v10 =	vpsel p0, v10, v4  }
0x11b: {  	v9 =	vpsel p0, v9, v4;
	v5 =	vmax.f32 v5, v55;
	v4 =	vmax.f32 v63, v56  }
0x11c: {  	v6 =	vmax.f32 v6, v57;
	v7 =	vmax.f32 v7, v58;
	v8 =	vmax.f32 v8, v59  }
0x11d: {  	s28 =	smov.u32 s21;
	s0 =	smov.u32 s20;
	v10 =	vmax.f32 v10, v60;
	v11 =	vmax.f32 v11, v61;
	v9 =	vmax.f32 v9, v62  }
.LBB2_7:
.Ltmp11:
0x11e: {  	(pc) =	sbr.rel .LBB2_14-.Ltmp11, $4  }
0x11f: {  	_ = 	snop  }
0x120: {  	v5 =	vimm.f32 $-Inf;
	v6 =	vimm.f32 $-Inf  }
0x121: {  	v7 =	vimm.f32 $-Inf;
	v8 =	vimm.f32 $-Inf;
	v10 =	vimm.f32 $-Inf  }
0x122: {  	v13 =	vimm.f32 $-Inf;
	v15 =	vimm.f32 $-Inf;
	v9 =	vimm.f32 $-Inf  }
.LBB2_9:
.Ltmp12:
0x123: {  	(pc) =	sbr.rel .LBB2_14-.Ltmp12, $4  }
0x124: {  	_ = 	snop  }
0x125: {  	v5 =	vimm.f32 $-Inf;
	v6 =	vimm.f32 $-Inf  }
0x126: {  	v7 =	vimm.f32 $-Inf;
	v8 =	vimm.f32 $-Inf;
	v10 =	vimm.f32 $-Inf  }
0x127: {  	s28 =	smov.u32 s21;
	s21 =	smov.u32 s29;
	s20 =	smov.u32 s3;
	v13 =	vimm.f32 $-Inf;
	v15 =	vimm.f32 $-Inf;
	v9 =	vimm.f32 $-Inf  }
.LBB2_11:
.Ltmp13:
0x128: {  	(pc) =	sbr.rel .LBB2_14-.Ltmp13, $4  }
0x129: {  	_ = 	snop  }
0x12a: {  	v5 =	vimm.f32 $-Inf  }
0x12b: {  	v6 =	vimm.f32 $-Inf;
	v7 =	vimm.f32 $-Inf;
	v8 =	vimm.f32 $-Inf  }
0x12c: {  	s13 =	smov.u32 s0;
	s28 =	smov.u32 s29;
	v10 =	vimm.f32 $-Inf;
	v13 =	vimm.f32 $-Inf;
	s0 =	smov.u32 s30;
	v15 =	vimm.f32 $-Inf  }
.LBB2_17:
0x12d: {  	_ =	sfence.sel $0x180000  }
0x12e: {  	[bflag:$0x0] =	sbarrier.arrive $0xFFFF  }
0x12f: {  	_ =	strace $0x90000047  }
0x130: {  	s0 =	stileid.u32;
	[bflag:$0x2] =	sbarrier.arrive $0xFFFF  }
0x131: {  	p0 =	sne.s32 s0, $0x0;
	s0 =	rddreg [dreg:$0x3]  }
0x132: {  	s0 =	sadd.s32 @!p0 $0x100000, s0  }
0x133: {  	[sflag:s0] =	ssyncadd.tile.s32 @!p0 $0x1;
	_ =	shalt  }
.Lfunc_end2:
_tile_overlayer_lowered:
.L_overlay_start_2:
0x134: {  	(tag) =	ssettag $0x2  }
0x135: {  	s0 =	rddreg [dreg:$0x0];
	s2 =	stileid.u32  }
0x136: {  	s1 =	rddreg [dreg:$0x1];
	p0 =	sne.s32 s2, $0x0  }
0x137: {  	s3 =	rddreg [dreg:$0x2];
	[bflag:$0x3] =	sbarrier.arrive $0xFFFF;
	s2 =	simm.s32 @!p0 $0x1C03  }
0x138: {  	[timem:s3], [sflag:s2] =	dma.local @!p0 [hbm:s0], s1  }
0x139: {  	s0 =	simm.s32 @!p0 $0x3  }
0x13a: {  	_ =	swait.ge @!p0 [sflag:s0], s1  }
0x13b: {  	s1 =	ssub.s32 @!p0 $0x0, s1;
	[sflag:s0] =	ssyncset.done @!p0 $0x0  }
0x13c: {  	[sflag:s0] =	ssyncadd.s32 @!p0 s1  }
0x13d: {  	[bflag:$0x3] =	sbarrier.arrive $0xFFFF  }
0x13e: {  	_ =	shalt  }

</sc_bundles>
